<compile_context>
chip_gen: v7x
topology: tpu7x:2x2x1
jax: 0.10.2.dev20260603
libtpu: 0.0.44.dev20260713+nightly
codegen_flags: <defaults>
</compile_context>

<pallas_src>
import functools

import jax
import jax.numpy as jnp
from jax import lax
from jax.experimental import pallas as pl
from jax.experimental.pallas import tpu as pltpu
from jax.experimental.pallas import tpu_sc as plsc

_N_DIAG = 20000
_N_MED = 2000
_L = 16
_NS = 16
_CHUNK = 1248
_TAIL = _N_DIAG - _CHUNK * _NS
_BUF = _CHUNK + _TAIL
_MCHUNK = 128


@functools.partial(
    pl.kernel,
    mesh=plsc.VectorSubcoreMesh(core_axis_name="c", subcore_axis_name="s",
                                num_cores=1),
    out_type=jax.ShapeDtypeStruct((_N_MED,), jnp.float32),
    scratch_types=[
        pltpu.VMEM((_BUF,), jnp.int32),
        pltpu.VMEM((_L,), jnp.int32),
        pltpu.VMEM((_NS, _L), jnp.int32),
        pltpu.VMEM((_MCHUNK,), jnp.float32),
        pltpu.VMEM_SHARED((_NS, _L), jnp.int32),
        pltpu.SemaphoreType.DMA,
        pltpu.SemaphoreType.DMA,
        pltpu.SemaphoreType.DMA,
    ],
)
def _pmd_sc(d_hbm, m_hbm, out_hbm, d_v, p_v, g_v, m_v, part_sh,
            dsem, tsem, msem):
    s = lax.axis_index("s")

    mbase = jnp.minimum(s * _MCHUNK, _N_MED - _MCHUNK)
    dcopy = pltpu.async_copy(d_hbm.at[pl.ds(s * _CHUNK, _CHUNK)],
                             d_v.at[pl.ds(0, _CHUNK)], dsem)
    tcopy = pltpu.async_copy(d_hbm.at[pl.ds(_CHUNK * _NS, _TAIL)],
                             d_v.at[pl.ds(_CHUNK, _TAIL)], tsem)
    mcopy = pltpu.async_copy(m_hbm.at[pl.ds(mbase, _MCHUNK)], m_v, msem)

    one_i = jnp.ones((_L,), jnp.int32)
    zero_i = jnp.zeros((_L,), jnp.int32)

    dcopy.wait()
    acc = zero_i
    for j in range(_CHUNK // _L):
        acc = acc + jnp.where(d_v[pl.ds(j * _L, _L)] == one_i, one_i, zero_i)

    tcopy.wait()
    tailc = zero_i
    for j in range(_CHUNK // _L, _BUF // _L):
        tailc = tailc + jnp.where(d_v[pl.ds(j * _L, _L)] == one_i, one_i, zero_i)
    is0 = jnp.where(s == 0, 1, 0)
    acc = acc + tailc * jnp.full((_L,), is0, dtype=jnp.int32)

    k = acc[0]
    for l in range(1, _L):
        k = k + acc[l]
    p_v[...] = jnp.full((_L,), k, dtype=jnp.int32)
    pltpu.sync_copy(p_v, part_sh.at[s])
    plsc.subcore_barrier()

    pltpu.sync_copy(part_sh, g_v)
    tot = zero_i
    for r in range(_NS):
        tot = tot + g_v[r]
    kvec = tot.astype(jnp.float32)
    zero = jnp.zeros((_L,), jnp.float32)
    one = jnp.ones((_L,), jnp.float32)

    mcopy.wait()
    for j in range(_MCHUNK // _L):
        v = m_v[pl.ds(j * _L, _L)]
        m_v[pl.ds(j * _L, _L)] = jnp.minimum(jnp.maximum(v * kvec, zero), one)
    pltpu.sync_copy(m_v, out_hbm.at[pl.ds(mbase, _MCHUNK)])


def kernel(mhot_diag, mhot_med):
    d = mhot_diag.reshape((_N_DIAG,))
    m = mhot_med.reshape((_N_MED,)).astype(jnp.float32)
    return _pmd_sc(d, m).reshape((1, _N_MED))

# --- scband reference (transcript-rebuilt; emitter-appended) ---
"""Pipeline reference for scband-pmd-14645838479626 (READ-ONLY COPY).

The authoritative reference and input builder live on the scoring server;
editing this copy changes nothing except your own understanding.
"""

import jax, jax.numpy as jnp
import numpy as np

N_DIAG = 20000
N_MED = 2000

def setup_inputs(seed: int = 0) -> dict:
    key = jax.random.key(seed)
    k1, k2 = jax.random.split(key)
    mhot_diag = jax.random.randint(k1, (1, N_DIAG), 0, 2, dtype=jnp.int32)
    mhot_med = jax.random.randint(k2, (1, N_MED), 0, 2, dtype=jnp.int32).astype(jnp.float32)
    return {"mhot_diag": mhot_diag, "mhot_med": mhot_med}


def reference(mhot_diag, mhot_med):
    # squeeze batch dim as in original forward
    d = jnp.squeeze(mhot_diag)                      # [N_DIAG] int multi-hot
    m = jnp.squeeze(mhot_med).astype(jnp.float32)   # [N_MED]  float multi-hot

    mask = (d == 1).astype(jnp.float32)             # rows selected by np.where(mhot_diag == 1)

    # training-mode state update starting from zero-initialized memory:
    #   self.origin_MD[diag] += mhot_med   -> scatter-add of med vector into selected rows
    #   self.diag_times += mhot_diag
    updates = mask[:, None] * m[None, :]            # [N_DIAG, N_MED]
    origin_MD = jnp.zeros((N_DIAG, N_MED), dtype=jnp.float32).at[jnp.arange(N_DIAG)].add(updates)
    diag_times = jnp.zeros((N_DIAG,), dtype=jnp.float32) + d.astype(jnp.float32)

    # cur_diag_times[i] = 1 / diag_times[i] if diag_times[i] != 0 else 0
    safe = jnp.where(diag_times != 0, diag_times, 1.0)
    cur_diag_times = jnp.where(diag_times != 0, 1.0 / safe, 0.0)

    # med_rec_matrix = diag(cur_diag_times) @ origin_MD
    med_rec_matrix = cur_diag_times[:, None] * origin_MD

    # med_rec = med_rec_matrix[diag].sum(axis=0)  (sum over rows where mhot_diag == 1)
    med_rec = mask @ med_rec_matrix                 # [N_MED]
    med_rec = jnp.clip(med_rec, 0.0, 1.0)
    return med_rec[None, :]

if __name__ == "__main__":
    import jax
    _d = setup_inputs()
    print(jax.jit(kernel)(*tuple(_d.values())))

</pallas_src>

<mosaic_0001>
#map = affine_map<(d0, d1) -> (0)>
module attributes {stable_mosaic.version = 14 : i64} {
  func.func @_pmd_sc(%arg0: i32, %arg1: i32, %arg2: memref<20000xi32, #tpu.memory_space<hbm>>, %arg3: memref<2000xf32, #tpu.memory_space<hbm>>, %arg4: memref<2000xf32, #tpu.memory_space<hbm>>, %arg5: memref<1280xi32, #tpu.memory_space<vmem>>, %arg6: memref<16xi32, #tpu.memory_space<vmem>>, %arg7: memref<16x16xi32, #tpu.memory_space<vmem>>, %arg8: memref<128xf32, #tpu.memory_space<vmem>>, %arg9: memref<16x16xi32, #tpu.memory_space<vmem_shared>>, %arg10: memref<!tpu.dma_semaphore, #tpu.memory_space<semaphore_mem>>, %arg11: memref<!tpu.dma_semaphore, #tpu.memory_space<semaphore_mem>>, %arg12: memref<!tpu.dma_semaphore, #tpu.memory_space<semaphore_mem>>) attributes {dimension_semantics = [#tpu.dimension_semantics<core_parallel>, #tpu.dimension_semantics<subcore_parallel>], iteration_bounds = array<i64: 1, 16>, scalar_prefetch = 0 : i64, scratch_operands = 8 : i64, tpu.core_type = #tpu.core_type<sc_vector_subcore>, window_params = [{transform_indices = #map}, {transform_indices = #map}, {transform_indices = #map}]} {
    %mul3A = arith.constant 128 : i32
    %mul3A_0 = arith.muli %arg1, %mul3A : i32
    %min3A = arith.constant 1872 : i32
    %min3A_1 = arith.minsi %mul3A_0, %min3A : i32
    %mul3A_2 = arith.constant 1248 : i32
    %mul3A_3 = arith.muli %arg1, %mul3A_2 : i32
    %dma_start3A = arith.constant 0 : i32
    %dma_start3A_4 = tpu.memref_slice %arg5[%dma_start3A] : memref<1280xi32, #tpu.memory_space<vmem>> -> memref<1248xi32, #tpu.memory_space<vmem>>
    %dma_start3A_5 = tpu.memref_slice %arg2[%mul3A_3] : memref<20000xi32, #tpu.memory_space<hbm>> -> memref<1248xi32, #tpu.memory_space<hbm>>
    %dma_start3A_6 = arith.constant 0 : i32
    %dma_start3A_7 = tpu.memref_slice %arg5[%dma_start3A_6] : memref<1280xi32, #tpu.memory_space<vmem>> -> memref<1248xi32, #tpu.memory_space<vmem>>
    %dma_start3A_8 = tpu.memref_slice %arg2[%mul3A_3] : memref<20000xi32, #tpu.memory_space<hbm>> -> memref<1248xi32, #tpu.memory_space<hbm>>
    tpu.enqueue_dma source(%dma_start3A_8 : memref<1248xi32, #tpu.memory_space<hbm>>) target(%dma_start3A_7 : memref<1248xi32, #tpu.memory_space<vmem>>) target_semaphore(%arg10 : memref<!tpu.dma_semaphore, #tpu.memory_space<semaphore_mem>>)
    %dma_start3A_9 = arith.constant 1248 : i32
    %dma_start3A_10 = tpu.memref_slice %arg5[%dma_start3A_9] : memref<1280xi32, #tpu.memory_space<vmem>> -> memref<32xi32, #tpu.memory_space<vmem>>
    %dma_start3A_11 = arith.constant 19968 : i32
    %dma_start3A_12 = tpu.memref_slice %arg2[%dma_start3A_11] : memref<20000xi32, #tpu.memory_space<hbm>> -> memref<32xi32, #tpu.memory_space<hbm>>
    %dma_start3A_13 = arith.constant 1248 : i32
    %dma_start3A_14 = tpu.memref_slice %arg5[%dma_start3A_13] : memref<1280xi32, #tpu.memory_space<vmem>> -> memref<32xi32, #tpu.memory_space<vmem>>
    %dma_start3A_15 = arith.constant 19968 : i32
    %dma_start3A_16 = tpu.memref_slice %arg2[%dma_start3A_15] : memref<20000xi32, #tpu.memory_space<hbm>> -> memref<32xi32, #tpu.memory_space<hbm>>
    tpu.enqueue_dma source(%dma_start3A_16 : memref<32xi32, #tpu.memory_space<hbm>>) target(%dma_start3A_14 : memref<32xi32, #tpu.memory_space<vmem>>) target_semaphore(%arg11 : memref<!tpu.dma_semaphore, #tpu.memory_space<semaphore_mem>>)
    %dma_start3A_17 = tpu.memref_slice %arg3[%min3A_1] : memref<2000xf32, #tpu.memory_space<hbm>> -> memref<128xf32, #tpu.memory_space<hbm>>
    %dma_start3A_18 = tpu.memref_slice %arg3[%min3A_1] : memref<2000xf32, #tpu.memory_space<hbm>> -> memref<128xf32, #tpu.memory_space<hbm>>
    tpu.enqueue_dma source(%dma_start3A_18 : memref<128xf32, #tpu.memory_space<hbm>>) target(%arg8 : memref<128xf32, #tpu.memory_space<vmem>>) target_semaphore(%arg12 : memref<!tpu.dma_semaphore, #tpu.memory_space<semaphore_mem>>)
    %broadcast_in_dim3A = arith.constant 1 : i32
    %broadcast_in_dim3A_19 = vector.broadcast %broadcast_in_dim3A : i32 to vector<16xi32>
    %broadcast_in_dim3A_20 = arith.constant 0 : i32
    %broadcast_in_dim3A_21 = vector.broadcast %broadcast_in_dim3A_20 : i32 to vector<16xi32>
    %dma_wait3A = arith.constant 0 : i32
    %dma_wait3A_22 = tpu.memref_slice %arg5[%dma_wait3A] : memref<1280xi32, #tpu.memory_space<vmem>> -> memref<1248xi32, #tpu.memory_space<vmem>>
    %dma_wait3A_23 = tpu.memref_slice %arg2[%mul3A_3] : memref<20000xi32, #tpu.memory_space<hbm>> -> memref<1248xi32, #tpu.memory_space<hbm>>
    %dma_wait3A_24 = arith.constant 0 : i32
    %dma_wait3A_25 = tpu.memref_slice %arg5[%dma_wait3A_24] : memref<1280xi32, #tpu.memory_space<vmem>> -> memref<1248xi32, #tpu.memory_space<vmem>>
    %dma_wait3A_26 = tpu.memref_slice %arg2[%mul3A_3] : memref<20000xi32, #tpu.memory_space<hbm>> -> memref<1248xi32, #tpu.memory_space<hbm>>
    tpu.wait_dma2 semaphore(%arg10 : memref<!tpu.dma_semaphore, #tpu.memory_space<semaphore_mem>>) src(%dma_wait3A_26 : memref<1248xi32, #tpu.memory_space<hbm>>) dst(%dma_wait3A_25 : memref<1248xi32, #tpu.memory_space<vmem>>)
    %get3A = arith.constant 0 : index
    %get3A_27 = tpu.vector_load %arg5[%get3A] {strides = array<i32>} : memref<1280xi32, #tpu.memory_space<vmem>>, vector<16xi32>,
    %get3A_28 = vector.shape_cast %get3A_27 : vector<16xi32> to vector<16xi32>
    %eq3A = arith.cmpi eq, %get3A_28, %broadcast_in_dim3A_19 : vector<16xi32>
    %select_n3A = arith.select %eq3A, %broadcast_in_dim3A_19, %broadcast_in_dim3A_21 : vector<16xi1>, vector<16xi32>
    %add3A = arith.addi %broadcast_in_dim3A_21, %select_n3A : vector<16xi32>
    %get3A_29 = arith.constant 16 : index
    %get3A_30 = tpu.vector_load %arg5[%get3A_29] {strides = array<i32>} : memref<1280xi32, #tpu.memory_space<vmem>>, vector<16xi32>,
    %get3A_31 = vector.shape_cast %get3A_30 : vector<16xi32> to vector<16xi32>
    %eq3A_32 = arith.cmpi eq, %get3A_31, %broadcast_in_dim3A_19 : vector<16xi32>
    %select_n3A_33 = arith.select %eq3A_32, %broadcast_in_dim3A_19, %broadcast_in_dim3A_21 : vector<16xi1>, vector<16xi32>
    %add3A_34 = arith.addi %add3A, %select_n3A_33 : vector<16xi32>
    %get3A_35 = arith.constant 32 : index
    %get3A_36 = tpu.vector_load %arg5[%get3A_35] {strides = array<i32>} : memref<1280xi32, #tpu.memory_space<vmem>>, vector<16xi32>,
    %get3A_37 = vector.shape_cast %get3A_36 : vector<16xi32> to vector<16xi32>
    %eq3A_38 = arith.cmpi eq, %get3A_37, %broadcast_in_dim3A_19 : vector<16xi32>
    %select_n3A_39 = arith.select %eq3A_38, %broadcast_in_dim3A_19, %broadcast_in_dim3A_21 : vector<16xi1>, vector<16xi32>
    %add3A_40 = arith.addi %add3A_34, %select_n3A_39 : vector<16xi32>
    %get3A_41 = arith.constant 48 : index
    %get3A_42 = tpu.vector_load %arg5[%get3A_41] {strides = array<i32>} : memref<1280xi32, #tpu.memory_space<vmem>>, vector<16xi32>,
    %get3A_43 = vector.shape_cast %get3A_42 : vector<16xi32> to vector<16xi32>
    %eq3A_44 = arith.cmpi eq, %get3A_43, %broadcast_in_dim3A_19 : vector<16xi32>
    %select_n3A_45 = arith.select %eq3A_44, %broadcast_in_dim3A_19, %broadcast_in_dim3A_21 : vector<16xi1>, vector<16xi32>
    %add3A_46 = arith.addi %add3A_40, %select_n3A_45 : vector<16xi32>
    %get3A_47 = arith.constant 64 : index
    %get3A_48 = tpu.vector_load %arg5[%get3A_47] {strides = array<i32>} : memref<1280xi32, #tpu.memory_space<vmem>>, vector<16xi32>,
    %get3A_49 = vector.shape_cast %get3A_48 : vector<16xi32> to vector<16xi32>
    %eq3A_50 = arith.cmpi eq, %get3A_49, %broadcast_in_dim3A_19 : vector<16xi32>
    %select_n3A_51 = arith.select %eq3A_50, %broadcast_in_dim3A_19, %broadcast_in_dim3A_21 : vector<16xi1>, vector<16xi32>
    %add3A_52 = arith.addi %add3A_46, %select_n3A_51 : vector<16xi32>
    %get3A_53 = arith.constant 80 : index
    %get3A_54 = tpu.vector_load %arg5[%get3A_53] {strides = array<i32>} : memref<1280xi32, #tpu.memory_space<vmem>>, vector<16xi32>,
    %get3A_55 = vector.shape_cast %get3A_54 : vector<16xi32> to vector<16xi32>
    %eq3A_56 = arith.cmpi eq, %get3A_55, %broadcast_in_dim3A_19 : vector<16xi32>
    %select_n3A_57 = arith.select %eq3A_56, %broadcast_in_dim3A_19, %broadcast_in_dim3A_21 : vector<16xi1>, vector<16xi32>
    %add3A_58 = arith.addi %add3A_52, %select_n3A_57 : vector<16xi32>
    %get3A_59 = arith.constant 96 : index
    %get3A_60 = tpu.vector_load %arg5[%get3A_59] {strides = array<i32>} : memref<1280xi32, #tpu.memory_space<vmem>>, vector<16xi32>,
    %get3A_61 = vector.shape_cast %get3A_60 : vector<16xi32> to vector<16xi32>
    %eq3A_62 = arith.cmpi eq, %get3A_61, %broadcast_in_dim3A_19 : vector<16xi32>
    %select_n3A_63 = arith.select %eq3A_62, %broadcast_in_dim3A_19, %broadcast_in_dim3A_21 : vector<16xi1>, vector<16xi32>
    %add3A_64 = arith.addi %add3A_58, %select_n3A_63 : vector<16xi32>
    %get3A_65 = arith.constant 112 : index
    %get3A_66 = tpu.vector_load %arg5[%get3A_65] {strides = array<i32>} : memref<1280xi32, #tpu.memory_space<vmem>>, vector<16xi32>,
    %get3A_67 = vector.shape_cast %get3A_66 : vector<16xi32> to vector<16xi32>
    %eq3A_68 = arith.cmpi eq, %get3A_67, %broadcast_in_dim3A_19 : vector<16xi32>
    %select_n3A_69 = arith.select %eq3A_68, %broadcast_in_dim3A_19, %broadcast_in_dim3A_21 : vector<16xi1>, vector<16xi32>
    %add3A_70 = arith.addi %add3A_64, %select_n3A_69 : vector<16xi32>
    %get3A_71 = arith.constant 128 : index
    %get3A_72 = tpu.vector_load %arg5[%get3A_71] {strides = array<i32>} : memref<1280xi32, #tpu.memory_space<vmem>>, vector<16xi32>,
    %get3A_73 = vector.shape_cast %get3A_72 : vector<16xi32> to vector<16xi32>
    %eq3A_74 = arith.cmpi eq, %get3A_73, %broadcast_in_dim3A_19 : vector<16xi32>
    %select_n3A_75 = arith.select %eq3A_74, %broadcast_in_dim3A_19, %broadcast_in_dim3A_21 : vector<16xi1>, vector<16xi32>
    %add3A_76 = arith.addi %add3A_70, %select_n3A_75 : vector<16xi32>
    %get3A_77 = arith.constant 144 : index
    %get3A_78 = tpu.vector_load %arg5[%get3A_77] {strides = array<i32>} : memref<1280xi32, #tpu.memory_space<vmem>>, vector<16xi32>,
    %get3A_79 = vector.shape_cast %get3A_78 : vector<16xi32> to vector<16xi32>
    %eq3A_80 = arith.cmpi eq, %get3A_79, %broadcast_in_dim3A_19 : vector<16xi32>
    %select_n3A_81 = arith.select %eq3A_80, %broadcast_in_dim3A_19, %broadcast_in_dim3A_21 : vector<16xi1>, vector<16xi32>
    %add3A_82 = arith.addi %add3A_76, %select_n3A_81 : vector<16xi32>
    %get3A_83 = arith.constant 160 : index
    %get3A_84 = tpu.vector_load %arg5[%get3A_83] {strides = array<i32>} : memref<1280xi32, #tpu.memory_space<vmem>>, vector<16xi32>,
    %get3A_85 = vector.shape_cast %get3A_84 : vector<16xi32> to vector<16xi32>
    %eq3A_86 = arith.cmpi eq, %get3A_85, %broadcast_in_dim3A_19 : vector<16xi32>
    %select_n3A_87 = arith.select %eq3A_86, %broadcast_in_dim3A_19, %broadcast_in_dim3A_21 : vector<16xi1>, vector<16xi32>
    %add3A_88 = arith.addi %add3A_82, %select_n3A_87 : vector<16xi32>
    %get3A_89 = arith.constant 176 : index
    %get3A_90 = tpu.vector_load %arg5[%get3A_89] {strides = array<i32>} : memref<1280xi32, #tpu.memory_space<vmem>>, vector<16xi32>,
    %get3A_91 = vector.shape_cast %get3A_90 : vector<16xi32> to vector<16xi32>
    %eq3A_92 = arith.cmpi eq, %get3A_91, %broadcast_in_dim3A_19 : vector<16xi32>
    %select_n3A_93 = arith.select %eq3A_92, %broadcast_in_dim3A_19, %broadcast_in_dim3A_21 : vector<16xi1>, vector<16xi32>
    %add3A_94 = arith.addi %add3A_88, %select_n3A_93 : vector<16xi32>
    %get3A_95 = arith.constant 192 : index
    %get3A_96 = tpu.vector_load %arg5[%get3A_95] {strides = array<i32>} : memref<1280xi32, #tpu.memory_space<vmem>>, vector<16xi32>,
    %get3A_97 = vector.shape_cast %get3A_96 : vector<16xi32> to vector<16xi32>
    %eq3A_98 = arith.cmpi eq, %get3A_97, %broadcast_in_dim3A_19 : vector<16xi32>
    %select_n3A_99 = arith.select %eq3A_98, %broadcast_in_dim3A_19, %broadcast_in_dim3A_21 : vector<16xi1>, vector<16xi32>
    %add3A_100 = arith.addi %add3A_94, %select_n3A_99 : vector<16xi32>
    %get3A_101 = arith.constant 208 : index
    %get3A_102 = tpu.vector_load %arg5[%get3A_101] {strides = array<i32>} : memref<1280xi32, #tpu.memory_space<vmem>>, vector<16xi32>,
    %get3A_103 = vector.shape_cast %get3A_102 : vector<16xi32> to vector<16xi32>
    %eq3A_104 = arith.cmpi eq, %get3A_103, %broadcast_in_dim3A_19 : vector<16xi32>
    %select_n3A_105 = arith.select %eq3A_104, %broadcast_in_dim3A_19, %broadcast_in_dim3A_21 : vector<16xi1>, vector<16xi32>
    %add3A_106 = arith.addi %add3A_100, %select_n3A_105 : vector<16xi32>
    %get3A_107 = arith.constant 224 : index
    %get3A_108 = tpu.vector_load %arg5[%get3A_107] {strides = array<i32>} : memref<1280xi32, #tpu.memory_space<vmem>>, vector<16xi32>,
    %get3A_109 = vector.shape_cast %get3A_108 : vector<16xi32> to vector<16xi32>
    %eq3A_110 = arith.cmpi eq, %get3A_109, %broadcast_in_dim3A_19 : vector<16xi32>
    %select_n3A_111 = arith.select %eq3A_110, %broadcast_in_dim3A_19, %broadcast_in_dim3A_21 : vector<16xi1>, vector<16xi32>
    %add3A_112 = arith.addi %add3A_106, %select_n3A_111 : vector<16xi32>
    %get3A_113 = arith.constant 240 : index
    %get3A_114 = tpu.vector_load %arg5[%get3A_113] {strides = array<i32>} : memref<1280xi32, #tpu.memory_space<vmem>>, vector<16xi32>,
    %get3A_115 = vector.shape_cast %get3A_114 : vector<16xi32> to vector<16xi32>
    %eq3A_116 = arith.cmpi eq, %get3A_115, %broadcast_in_dim3A_19 : vector<16xi32>
    %select_n3A_117 = arith.select %eq3A_116, %broadcast_in_dim3A_19, %broadcast_in_dim3A_21 : vector<16xi1>, vector<16xi32>
    %add3A_118 = arith.addi %add3A_112, %select_n3A_117 : vector<16xi32>
    %get3A_119 = arith.constant 256 : index
    %get3A_120 = tpu.vector_load %arg5[%get3A_119] {strides = array<i32>} : memref<1280xi32, #tpu.memory_space<vmem>>, vector<16xi32>,
    %get3A_121 = vector.shape_cast %get3A_120 : vector<16xi32> to vector<16xi32>
    %eq3A_122 = arith.cmpi eq, %get3A_121, %broadcast_in_dim3A_19 : vector<16xi32>
    %select_n3A_123 = arith.select %eq3A_122, %broadcast_in_dim3A_19, %broadcast_in_dim3A_21 : vector<16xi1>, vector<16xi32>
    %add3A_124 = arith.addi %add3A_118, %select_n3A_123 : vector<16xi32>
    %get3A_125 = arith.constant 272 : index
    %get3A_126 = tpu.vector_load %arg5[%get3A_125] {strides = array<i32>} : memref<1280xi32, #tpu.memory_space<vmem>>, vector<16xi32>,
    %get3A_127 = vector.shape_cast %get3A_126 : vector<16xi32> to vector<16xi32>
    %eq3A_128 = arith.cmpi eq, %get3A_127, %broadcast_in_dim3A_19 : vector<16xi32>
    %select_n3A_129 = arith.select %eq3A_128, %broadcast_in_dim3A_19, %broadcast_in_dim3A_21 : vector<16xi1>, vector<16xi32>
    %add3A_130 = arith.addi %add3A_124, %select_n3A_129 : vector<16xi32>
    %get3A_131 = arith.constant 288 : index
    %get3A_132 = tpu.vector_load %arg5[%get3A_131] {strides = array<i32>} : memref<1280xi32, #tpu.memory_space<vmem>>, vector<16xi32>,
    %get3A_133 = vector.shape_cast %get3A_132 : vector<16xi32> to vector<16xi32>
    %eq3A_134 = arith.cmpi eq, %get3A_133, %broadcast_in_dim3A_19 : vector<16xi32>
    %select_n3A_135 = arith.select %eq3A_134, %broadcast_in_dim3A_19, %broadcast_in_dim3A_21 : vector<16xi1>, vector<16xi32>
    %add3A_136 = arith.addi %add3A_130, %select_n3A_135 : vector<16xi32>
    %get3A_137 = arith.constant 304 : index
    %get3A_138 = tpu.vector_load %arg5[%get3A_137] {strides = array<i32>} : memref<1280xi32, #tpu.memory_space<vmem>>, vector<16xi32>,
    %get3A_139 = vector.shape_cast %get3A_138 : vector<16xi32> to vector<16xi32>
    %eq3A_140 = arith.cmpi eq, %get3A_139, %broadcast_in_dim3A_19 : vector<16xi32>
    %select_n3A_141 = arith.select %eq3A_140, %broadcast_in_dim3A_19, %broadcast_in_dim3A_21 : vector<16xi1>, vector<16xi32>
    %add3A_142 = arith.addi %add3A_136, %select_n3A_141 : vector<16xi32>
    %get3A_143 = arith.constant 320 : index
    %get3A_144 = tpu.vector_load %arg5[%get3A_143] {strides = array<i32>} : memref<1280xi32, #tpu.memory_space<vmem>>, vector<16xi32>,
    %get3A_145 = vector.shape_cast %get3A_144 : vector<16xi32> to vector<16xi32>
    %eq3A_146 = arith.cmpi eq, %get3A_145, %broadcast_in_dim3A_19 : vector<16xi32>
    %select_n3A_147 = arith.select %eq3A_146, %broadcast_in_dim3A_19, %broadcast_in_dim3A_21 : vector<16xi1>, vector<16xi32>
    %add3A_148 = arith.addi %add3A_142, %select_n3A_147 : vector<16xi32>
    %get3A_149 = arith.constant 336 : index
    %get3A_150 = tpu.vector_load %arg5[%get3A_149] {strides = array<i32>} : memref<1280xi32, #tpu.memory_space<vmem>>, vector<16xi32>,
    %get3A_151 = vector.shape_cast %get3A_150 : vector<16xi32> to vector<16xi32>
    %eq3A_152 = arith.cmpi eq, %get3A_151, %broadcast_in_dim3A_19 : vector<16xi32>
    %select_n3A_153 = arith.select %eq3A_152, %broadcast_in_dim3A_19, %broadcast_in_dim3A_21 : vector<16xi1>, vector<16xi32>
    %add3A_154 = arith.addi %add3A_148, %select_n3A_153 : vector<16xi32>
    %get3A_155 = arith.constant 352 : index
    %get3A_156 = tpu.vector_load %arg5[%get3A_155] {strides = array<i32>} : memref<1280xi32, #tpu.memory_space<vmem>>, vector<16xi32>,
    %get3A_157 = vector.shape_cast %get3A_156 : vector<16xi32> to vector<16xi32>
    %eq3A_158 = arith.cmpi eq, %get3A_157, %broadcast_in_dim3A_19 : vector<16xi32>
    %select_n3A_159 = arith.select %eq3A_158, %broadcast_in_dim3A_19, %broadcast_in_dim3A_21 : vector<16xi1>, vector<16xi32>
    %add3A_160 = arith.addi %add3A_154, %select_n3A_159 : vector<16xi32>
    %get3A_161 = arith.constant 368 : index
    %get3A_162 = tpu.vector_load %arg5[%get3A_161] {strides = array<i32>} : memref<1280xi32, #tpu.memory_space<vmem>>, vector<16xi32>,
    %get3A_163 = vector.shape_cast %get3A_162 : vector<16xi32> to vector<16xi32>
    %eq3A_164 = arith.cmpi eq, %get3A_163, %broadcast_in_dim3A_19 : vector<16xi32>
    %select_n3A_165 = arith.select %eq3A_164, %broadcast_in_dim3A_19, %broadcast_in_dim3A_21 : vector<16xi1>, vector<16xi32>
    %add3A_166 = arith.addi %add3A_160, %select_n3A_165 : vector<16xi32>
    %get3A_167 = arith.constant 384 : index
    %get3A_168 = tpu.vector_load %arg5[%get3A_167] {strides = array<i32>} : memref<1280xi32, #tpu.memory_space<vmem>>, vector<16xi32>,
    %get3A_169 = vector.shape_cast %get3A_168 : vector<16xi32> to vector<16xi32>
    %eq3A_170 = arith.cmpi eq, %get3A_169, %broadcast_in_dim3A_19 : vector<16xi32>
    %select_n3A_171 = arith.select %eq3A_170, %broadcast_in_dim3A_19, %broadcast_in_dim3A_21 : vector<16xi1>, vector<16xi32>
    %add3A_172 = arith.addi %add3A_166, %select_n3A_171 : vector<16xi32>
    %get3A_173 = arith.constant 400 : index
    %get3A_174 = tpu.vector_load %arg5[%get3A_173] {strides = array<i32>} : memref<1280xi32, #tpu.memory_space<vmem>>, vector<16xi32>,
    %get3A_175 = vector.shape_cast %get3A_174 : vector<16xi32> to vector<16xi32>
    %eq3A_176 = arith.cmpi eq, %get3A_175, %broadcast_in_dim3A_19 : vector<16xi32>
    %select_n3A_177 = arith.select %eq3A_176, %broadcast_in_dim3A_19, %broadcast_in_dim3A_21 : vector<16xi1>, vector<16xi32>
    %add3A_178 = arith.addi %add3A_172, %select_n3A_177 : vector<16xi32>
    %get3A_179 = arith.constant 416 : index
    %get3A_180 = tpu.vector_load %arg5[%get3A_179] {strides = array<i32>} : memref<1280xi32, #tpu.memory_space<vmem>>, vector<16xi32>,
    %get3A_181 = vector.shape_cast %get3A_180 : vector<16xi32> to vector<16xi32>
    %eq3A_182 = arith.cmpi eq, %get3A_181, %broadcast_in_dim3A_19 : vector<16xi32>
    %select_n3A_183 = arith.select %eq3A_182, %broadcast_in_dim3A_19, %broadcast_in_dim3A_21 : vector<16xi1>, vector<16xi32>
    %add3A_184 = arith.addi %add3A_178, %select_n3A_183 : vector<16xi32>
    %get3A_185 = arith.constant 432 : index
    %get3A_186 = tpu.vector_load %arg5[%get3A_185] {strides = array<i32>} : memref<1280xi32, #tpu.memory_space<vmem>>, vector<16xi32>,
    %get3A_187 = vector.shape_cast %get3A_186 : vector<16xi32> to vector<16xi32>
    %eq3A_188 = arith.cmpi eq, %get3A_187, %broadcast_in_dim3A_19 : vector<16xi32>
    %select_n3A_189 = arith.select %eq3A_188, %broadcast_in_dim3A_19, %broadcast_in_dim3A_21 : vector<16xi1>, vector<16xi32>
    %add3A_190 = arith.addi %add3A_184, %select_n3A_189 : vector<16xi32>
    %get3A_191 = arith.constant 448 : index
    %get3A_192 = tpu.vector_load %arg5[%get3A_191] {strides = array<i32>} : memref<1280xi32, #tpu.memory_space<vmem>>, vector<16xi32>,
    %get3A_193 = vector.shape_cast %get3A_192 : vector<16xi32> to vector<16xi32>
    %eq3A_194 = arith.cmpi eq, %get3A_193, %broadcast_in_dim3A_19 : vector<16xi32>
    %select_n3A_195 = arith.select %eq3A_194, %broadcast_in_dim3A_19, %broadcast_in_dim3A_21 : vector<16xi1>, vector<16xi32>
    %add3A_196 = arith.addi %add3A_190, %select_n3A_195 : vector<16xi32>
    %get3A_197 = arith.constant 464 : index
    %get3A_198 = tpu.vector_load %arg5[%get3A_197] {strides = array<i32>} : memref<1280xi32, #tpu.memory_space<vmem>>, vector<16xi32>,
    %get3A_199 = vector.shape_cast %get3A_198 : vector<16xi32> to vector<16xi32>
    %eq3A_200 = arith.cmpi eq, %get3A_199, %broadcast_in_dim3A_19 : vector<16xi32>
    %select_n3A_201 = arith.select %eq3A_200, %broadcast_in_dim3A_19, %broadcast_in_dim3A_21 : vector<16xi1>, vector<16xi32>
    %add3A_202 = arith.addi %add3A_196, %select_n3A_201 : vector<16xi32>
    %get3A_203 = arith.constant 480 : index
    %get3A_204 = tpu.vector_load %arg5[%get3A_203] {strides = array<i32>} : memref<1280xi32, #tpu.memory_space<vmem>>, vector<16xi32>,
    %get3A_205 = vector.shape_cast %get3A_204 : vector<16xi32> to vector<16xi32>
    %eq3A_206 = arith.cmpi eq, %get3A_205, %broadcast_in_dim3A_19 : vector<16xi32>
    %select_n3A_207 = arith.select %eq3A_206, %broadcast_in_dim3A_19, %broadcast_in_dim3A_21 : vector<16xi1>, vector<16xi32>
    %add3A_208 = arith.addi %add3A_202, %select_n3A_207 : vector<16xi32>
    %get3A_209 = arith.constant 496 : index
    %get3A_210 = tpu.vector_load %arg5[%get3A_209] {strides = array<i32>} : memref<1280xi32, #tpu.memory_space<vmem>>, vector<16xi32>,
    %get3A_211 = vector.shape_cast %get3A_210 : vector<16xi32> to vector<16xi32>
    %eq3A_212 = arith.cmpi eq, %get3A_211, %broadcast_in_dim3A_19 : vector<16xi32>
    %select_n3A_213 = arith.select %eq3A_212, %broadcast_in_dim3A_19, %broadcast_in_dim3A_21 : vector<16xi1>, vector<16xi32>
    %add3A_214 = arith.addi %add3A_208, %select_n3A_213 : vector<16xi32>
    %get3A_215 = arith.constant 512 : index
    %get3A_216 = tpu.vector_load %arg5[%get3A_215] {strides = array<i32>} : memref<1280xi32, #tpu.memory_space<vmem>>, vector<16xi32>,
    %get3A_217 = vector.shape_cast %get3A_216 : vector<16xi32> to vector<16xi32>
    %eq3A_218 = arith.cmpi eq, %get3A_217, %broadcast_in_dim3A_19 : vector<16xi32>
    %select_n3A_219 = arith.select %eq3A_218, %broadcast_in_dim3A_19, %broadcast_in_dim3A_21 : vector<16xi1>, vector<16xi32>
    %add3A_220 = arith.addi %add3A_214, %select_n3A_219 : vector<16xi32>
    %get3A_221 = arith.constant 528 : index
    %get3A_222 = tpu.vector_load %arg5[%get3A_221] {strides = array<i32>} : memref<1280xi32, #tpu.memory_space<vmem>>, vector<16xi32>,
    %get3A_223 = vector.shape_cast %get3A_222 : vector<16xi32> to vector<16xi32>
    %eq3A_224 = arith.cmpi eq, %get3A_223, %broadcast_in_dim3A_19 : vector<16xi32>
    %select_n3A_225 = arith.select %eq3A_224, %broadcast_in_dim3A_19, %broadcast_in_dim3A_21 : vector<16xi1>, vector<16xi32>
    %add3A_226 = arith.addi %add3A_220, %select_n3A_225 : vector<16xi32>
    %get3A_227 = arith.constant 544 : index
    %get3A_228 = tpu.vector_load %arg5[%get3A_227] {strides = array<i32>} : memref<1280xi32, #tpu.memory_space<vmem>>, vector<16xi32>,
    %get3A_229 = vector.shape_cast %get3A_228 : vector<16xi32> to vector<16xi32>
    %eq3A_230 = arith.cmpi eq, %get3A_229, %broadcast_in_dim3A_19 : vector<16xi32>
    %select_n3A_231 = arith.select %eq3A_230, %broadcast_in_dim3A_19, %broadcast_in_dim3A_21 : vector<16xi1>, vector<16xi32>
    %add3A_232 = arith.addi %add3A_226, %select_n3A_231 : vector<16xi32>
    %get3A_233 = arith.constant 560 : index
    %get3A_234 = tpu.vector_load %arg5[%get3A_233] {strides = array<i32>} : memref<1280xi32, #tpu.memory_space<vmem>>, vector<16xi32>,
    %get3A_235 = vector.shape_cast %get3A_234 : vector<16xi32> to vector<16xi32>
    %eq3A_236 = arith.cmpi eq, %get3A_235, %broadcast_in_dim3A_19 : vector<16xi32>
    %select_n3A_237 = arith.select %eq3A_236, %broadcast_in_dim3A_19, %broadcast_in_dim3A_21 : vector<16xi1>, vector<16xi32>
    %add3A_238 = arith.addi %add3A_232, %select_n3A_237 : vector<16xi32>
    %get3A_239 = arith.constant 576 : index
    %get3A_240 = tpu.vector_load %arg5[%get3A_239] {strides = array<i32>} : memref<1280xi32, #tpu.memory_space<vmem>>, vector<16xi32>,
    %get3A_241 = vector.shape_cast %get3A_240 : vector<16xi32> to vector<16xi32>
    %eq3A_242 = arith.cmpi eq, %get3A_241, %broadcast_in_dim3A_19 : vector<16xi32>
    %select_n3A_243 = arith.select %eq3A_242, %broadcast_in_dim3A_19, %broadcast_in_dim3A_21 : vector<16xi1>, vector<16xi32>
    %add3A_244 = arith.addi %add3A_238, %select_n3A_243 : vector<16xi32>
    %get3A_245 = arith.constant 592 : index
    %get3A_246 = tpu.vector_load %arg5[%get3A_245] {strides = array<i32>} : memref<1280xi32, #tpu.memory_space<vmem>>, vector<16xi32>,
    %get3A_247 = vector.shape_cast %get3A_246 : vector<16xi32> to vector<16xi32>
    %eq3A_248 = arith.cmpi eq, %get3A_247, %broadcast_in_dim3A_19 : vector<16xi32>
    %select_n3A_249 = arith.select %eq3A_248, %broadcast_in_dim3A_19, %broadcast_in_dim3A_21 : vector<16xi1>, vector<16xi32>
    %add3A_250 = arith.addi %add3A_244, %select_n3A_249 : vector<16xi32>
    %get3A_251 = arith.constant 608 : index
    %get3A_252 = tpu.vector_load %arg5[%get3A_251] {strides = array<i32>} : memref<1280xi32, #tpu.memory_space<vmem>>, vector<16xi32>,
    %get3A_253 = vector.shape_cast %get3A_252 : vector<16xi32> to vector<16xi32>
    %eq3A_254 = arith.cmpi eq, %get3A_253, %broadcast_in_dim3A_19 : vector<16xi32>
    %select_n3A_255 = arith.select %eq3A_254, %broadcast_in_dim3A_19, %broadcast_in_dim3A_21 : vector<16xi1>, vector<16xi32>
    %add3A_256 = arith.addi %add3A_250, %select_n3A_255 : vector<16xi32>
    %get3A_257 = arith.constant 624 : index
    %get3A_258 = tpu.vector_load %arg5[%get3A_257] {strides = array<i32>} : memref<1280xi32, #tpu.memory_space<vmem>>, vector<16xi32>,
    %get3A_259 = vector.shape_cast %get3A_258 : vector<16xi32> to vector<16xi32>
    %eq3A_260 = arith.cmpi eq, %get3A_259, %broadcast_in_dim3A_19 : vector<16xi32>
    %select_n3A_261 = arith.select %eq3A_260, %broadcast_in_dim3A_19, %broadcast_in_dim3A_21 : vector<16xi1>, vector<16xi32>
    %add3A_262 = arith.addi %add3A_256, %select_n3A_261 : vector<16xi32>
    %get3A_263 = arith.constant 640 : index
    %get3A_264 = tpu.vector_load %arg5[%get3A_263] {strides = array<i32>} : memref<1280xi32, #tpu.memory_space<vmem>>, vector<16xi32>,
    %get3A_265 = vector.shape_cast %get3A_264 : vector<16xi32> to vector<16xi32>
    %eq3A_266 = arith.cmpi eq, %get3A_265, %broadcast_in_dim3A_19 : vector<16xi32>
    %select_n3A_267 = arith.select %eq3A_266, %broadcast_in_dim3A_19, %broadcast_in_dim3A_21 : vector<16xi1>, vector<16xi32>
    %add3A_268 = arith.addi %add3A_262, %select_n3A_267 : vector<16xi32>
    %get3A_269 = arith.constant 656 : index
    %get3A_270 = tpu.vector_load %arg5[%get3A_269] {strides = array<i32>} : memref<1280xi32, #tpu.memory_space<vmem>>, vector<16xi32>,
    %get3A_271 = vector.shape_cast %get3A_270 : vector<16xi32> to vector<16xi32>
    %eq3A_272 = arith.cmpi eq, %get3A_271, %broadcast_in_dim3A_19 : vector<16xi32>
    %select_n3A_273 = arith.select %eq3A_272, %broadcast_in_dim3A_19, %broadcast_in_dim3A_21 : vector<16xi1>, vector<16xi32>
    %add3A_274 = arith.addi %add3A_268, %select_n3A_273 : vector<16xi32>
    %get3A_275 = arith.constant 672 : index
    %get3A_276 = tpu.vector_load %arg5[%get3A_275] {strides = array<i32>} : memref<1280xi32, #tpu.memory_space<vmem>>, vector<16xi32>,
    %get3A_277 = vector.shape_cast %get3A_276 : vector<16xi32> to vector<16xi32>
    %eq3A_278 = arith.cmpi eq, %get3A_277, %broadcast_in_dim3A_19 : vector<16xi32>
    %select_n3A_279 = arith.select %eq3A_278, %broadcast_in_dim3A_19, %broadcast_in_dim3A_21 : vector<16xi1>, vector<16xi32>
    %add3A_280 = arith.addi %add3A_274, %select_n3A_279 : vector<16xi32>
    %get3A_281 = arith.constant 688 : index
    %get3A_282 = tpu.vector_load %arg5[%get3A_281] {strides = array<i32>} : memref<1280xi32, #tpu.memory_space<vmem>>, vector<16xi32>,
    %get3A_283 = vector.shape_cast %get3A_282 : vector<16xi32> to vector<16xi32>
    %eq3A_284 = arith.cmpi eq, %get3A_283, %broadcast_in_dim3A_19 : vector<16xi32>
    %select_n3A_285 = arith.select %eq3A_284, %broadcast_in_dim3A_19, %broadcast_in_dim3A_21 : vector<16xi1>, vector<16xi32>
    %add3A_286 = arith.addi %add3A_280, %select_n3A_285 : vector<16xi32>
    %get3A_287 = arith.constant 704 : index
    %get3A_288 = tpu.vector_load %arg5[%get3A_287] {strides = array<i32>} : memref<1280xi32, #tpu.memory_space<vmem>>, vector<16xi32>,
    %get3A_289 = vector.shape_cast %get3A_288 : vector<16xi32> to vector<16xi32>
    %eq3A_290 = arith.cmpi eq, %get3A_289, %broadcast_in_dim3A_19 : vector<16xi32>
    %select_n3A_291 = arith.select %eq3A_290, %broadcast_in_dim3A_19, %broadcast_in_dim3A_21 : vector<16xi1>, vector<16xi32>
    %add3A_292 = arith.addi %add3A_286, %select_n3A_291 : vector<16xi32>
    %get3A_293 = arith.constant 720 : index
    %get3A_294 = tpu.vector_load %arg5[%get3A_293] {strides = array<i32>} : memref<1280xi32, #tpu.memory_space<vmem>>, vector<16xi32>,
    %get3A_295 = vector.shape_cast %get3A_294 : vector<16xi32> to vector<16xi32>
    %eq3A_296 = arith.cmpi eq, %get3A_295, %broadcast_in_dim3A_19 : vector<16xi32>
    %select_n3A_297 = arith.select %eq3A_296, %broadcast_in_dim3A_19, %broadcast_in_dim3A_21 : vector<16xi1>, vector<16xi32>
    %add3A_298 = arith.addi %add3A_292, %select_n3A_297 : vector<16xi32>
    %get3A_299 = arith.constant 736 : index
    %get3A_300 = tpu.vector_load %arg5[%get3A_299] {strides = array<i32>} : memref<1280xi32, #tpu.memory_space<vmem>>, vector<16xi32>,
    %get3A_301 = vector.shape_cast %get3A_300 : vector<16xi32> to vector<16xi32>
    %eq3A_302 = arith.cmpi eq, %get3A_301, %broadcast_in_dim3A_19 : vector<16xi32>
    %select_n3A_303 = arith.select %eq3A_302, %broadcast_in_dim3A_19, %broadcast_in_dim3A_21 : vector<16xi1>, vector<16xi32>
    %add3A_304 = arith.addi %add3A_298, %select_n3A_303 : vector<16xi32>
    %get3A_305 = arith.constant 752 : index
    %get3A_306 = tpu.vector_load %arg5[%get3A_305] {strides = array<i32>} : memref<1280xi32, #tpu.memory_space<vmem>>, vector<16xi32>,
    %get3A_307 = vector.shape_cast %get3A_306 : vector<16xi32> to vector<16xi32>
    %eq3A_308 = arith.cmpi eq, %get3A_307, %broadcast_in_dim3A_19 : vector<16xi32>
    %select_n3A_309 = arith.select %eq3A_308, %broadcast_in_dim3A_19, %broadcast_in_dim3A_21 : vector<16xi1>, vector<16xi32>
    %add3A_310 = arith.addi %add3A_304, %select_n3A_309 : vector<16xi32>
    %get3A_311 = arith.constant 768 : index
    %get3A_312 = tpu.vector_load %arg5[%get3A_311] {strides = array<i32>} : memref<1280xi32, #tpu.memory_space<vmem>>, vector<16xi32>,
    %get3A_313 = vector.shape_cast %get3A_312 : vector<16xi32> to vector<16xi32>
    %eq3A_314 = arith.cmpi eq, %get3A_313, %broadcast_in_dim3A_19 : vector<16xi32>
    %select_n3A_315 = arith.select %eq3A_314, %broadcast_in_dim3A_19, %broadcast_in_dim3A_21 : vector<16xi1>, vector<16xi32>
    %add3A_316 = arith.addi %add3A_310, %select_n3A_315 : vector<16xi32>
    %get3A_317 = arith.constant 784 : index
    %get3A_318 = tpu.vector_load %arg5[%get3A_317] {strides = array<i32>} : memref<1280xi32, #tpu.memory_space<vmem>>, vector<16xi32>,
    %get3A_319 = vector.shape_cast %get3A_318 : vector<16xi32> to vector<16xi32>
    %eq3A_320 = arith.cmpi eq, %get3A_319, %broadcast_in_dim3A_19 : vector<16xi32>
    %select_n3A_321 = arith.select %eq3A_320, %broadcast_in_dim3A_19, %broadcast_in_dim3A_21 : vector<16xi1>, vector<16xi32>
    %add3A_322 = arith.addi %add3A_316, %select_n3A_321 : vector<16xi32>
    %get3A_323 = arith.constant 800 : index
    %get3A_324 = tpu.vector_load %arg5[%get3A_323] {strides = array<i32>} : memref<1280xi32, #tpu.memory_space<vmem>>, vector<16xi32>,
    %get3A_325 = vector.shape_cast %get3A_324 : vector<16xi32> to vector<16xi32>
    %eq3A_326 = arith.cmpi eq, %get3A_325, %broadcast_in_dim3A_19 : vector<16xi32>
    %select_n3A_327 = arith.select %eq3A_326, %broadcast_in_dim3A_19, %broadcast_in_dim3A_21 : vector<16xi1>, vector<16xi32>
    %add3A_328 = arith.addi %add3A_322, %select_n3A_327 : vector<16xi32>
    %get3A_329 = arith.constant 816 : index
    %get3A_330 = tpu.vector_load %arg5[%get3A_329] {strides = array<i32>} : memref<1280xi32, #tpu.memory_space<vmem>>, vector<16xi32>,
    %get3A_331 = vector.shape_cast %get3A_330 : vector<16xi32> to vector<16xi32>
    %eq3A_332 = arith.cmpi eq, %get3A_331, %broadcast_in_dim3A_19 : vector<16xi32>
    %select_n3A_333 = arith.select %eq3A_332, %broadcast_in_dim3A_19, %broadcast_in_dim3A_21 : vector<16xi1>, vector<16xi32>
    %add3A_334 = arith.addi %add3A_328, %select_n3A_333 : vector<16xi32>
    %get3A_335 = arith.constant 832 : index
    %get3A_336 = tpu.vector_load %arg5[%get3A_335] {strides = array<i32>} : memref<1280xi32, #tpu.memory_space<vmem>>, vector<16xi32>,
    %get3A_337 = vector.shape_cast %get3A_336 : vector<16xi32> to vector<16xi32>
    %eq3A_338 = arith.cmpi eq, %get3A_337, %broadcast_in_dim3A_19 : vector<16xi32>
    %select_n3A_339 = arith.select %eq3A_338, %broadcast_in_dim3A_19, %broadcast_in_dim3A_21 : vector<16xi1>, vector<16xi32>
    %add3A_340 = arith.addi %add3A_334, %select_n3A_339 : vector<16xi32>
    %get3A_341 = arith.constant 848 : index
    %get3A_342 = tpu.vector_load %arg5[%get3A_341] {strides = array<i32>} : memref<1280xi32, #tpu.memory_space<vmem>>, vector<16xi32>,
    %get3A_343 = vector.shape_cast %get3A_342 : vector<16xi32> to vector<16xi32>
    %eq3A_344 = arith.cmpi eq, %get3A_343, %broadcast_in_dim3A_19 : vector<16xi32>
    %select_n3A_345 = arith.select %eq3A_344, %broadcast_in_dim3A_19, %broadcast_in_dim3A_21 : vector<16xi1>, vector<16xi32>
    %add3A_346 = arith.addi %add3A_340, %select_n3A_345 : vector<16xi32>
    %get3A_347 = arith.constant 864 : index
    %get3A_348 = tpu.vector_load %arg5[%get3A_347] {strides = array<i32>} : memref<1280xi32, #tpu.memory_space<vmem>>, vector<16xi32>,
    %get3A_349 = vector.shape_cast %get3A_348 : vector<16xi32> to vector<16xi32>
    %eq3A_350 = arith.cmpi eq, %get3A_349, %broadcast_in_dim3A_19 : vector<16xi32>
    %select_n3A_351 = arith.select %eq3A_350, %broadcast_in_dim3A_19, %broadcast_in_dim3A_21 : vector<16xi1>, vector<16xi32>
    %add3A_352 = arith.addi %add3A_346, %select_n3A_351 : vector<16xi32>
    %get3A_353 = arith.constant 880 : index
    %get3A_354 = tpu.vector_load %arg5[%get3A_353] {strides = array<i32>} : memref<1280xi32, #tpu.memory_space<vmem>>, vector<16xi32>,
    %get3A_355 = vector.shape_cast %get3A_354 : vector<16xi32> to vector<16xi32>
    %eq3A_356 = arith.cmpi eq, %get3A_355, %broadcast_in_dim3A_19 : vector<16xi32>
    %select_n3A_357 = arith.select %eq3A_356, %broadcast_in_dim3A_19, %broadcast_in_dim3A_21 : vector<16xi1>, vector<16xi32>
    %add3A_358 = arith.addi %add3A_352, %select_n3A_357 : vector<16xi32>
    %get3A_359 = arith.constant 896 : index
    %get3A_360 = tpu.vector_load %arg5[%get3A_359] {strides = array<i32>} : memref<1280xi32, #tpu.memory_space<vmem>>, vector<16xi32>,
    %get3A_361 = vector.shape_cast %get3A_360 : vector<16xi32> to vector<16xi32>
    %eq3A_362 = arith.cmpi eq, %get3A_361, %broadcast_in_dim3A_19 : vector<16xi32>
    %select_n3A_363 = arith.select %eq3A_362, %broadcast_in_dim3A_19, %broadcast_in_dim3A_21 : vector<16xi1>, vector<16xi32>
    %add3A_364 = arith.addi %add3A_358, %select_n3A_363 : vector<16xi32>
    %get3A_365 = arith.constant 912 : index
    %get3A_366 = tpu.vector_load %arg5[%get3A_365] {strides = array<i32>} : memref<1280xi32, #tpu.memory_space<vmem>>, vector<16xi32>,
    %get3A_367 = vector.shape_cast %get3A_366 : vector<16xi32> to vector<16xi32>
    %eq3A_368 = arith.cmpi eq, %get3A_367, %broadcast_in_dim3A_19 : vector<16xi32>
    %select_n3A_369 = arith.select %eq3A_368, %broadcast_in_dim3A_19, %broadcast_in_dim3A_21 : vector<16xi1>, vector<16xi32>
    %add3A_370 = arith.addi %add3A_364, %select_n3A_369 : vector<16xi32>
    %get3A_371 = arith.constant 928 : index
    %get3A_372 = tpu.vector_load %arg5[%get3A_371] {strides = array<i32>} : memref<1280xi32, #tpu.memory_space<vmem>>, vector<16xi32>,
    %get3A_373 = vector.shape_cast %get3A_372 : vector<16xi32> to vector<16xi32>
    %eq3A_374 = arith.cmpi eq, %get3A_373, %broadcast_in_dim3A_19 : vector<16xi32>
    %select_n3A_375 = arith.select %eq3A_374, %broadcast_in_dim3A_19, %broadcast_in_dim3A_21 : vector<16xi1>, vector<16xi32>
    %add3A_376 = arith.addi %add3A_370, %select_n3A_375 : vector<16xi32>
    %get3A_377 = arith.constant 944 : index
    %get3A_378 = tpu.vector_load %arg5[%get3A_377] {strides = array<i32>} : memref<1280xi32, #tpu.memory_space<vmem>>, vector<16xi32>,
    %get3A_379 = vector.shape_cast %get3A_378 : vector<16xi32> to vector<16xi32>
    %eq3A_380 = arith.cmpi eq, %get3A_379, %broadcast_in_dim3A_19 : vector<16xi32>
    %select_n3A_381 = arith.select %eq3A_380, %broadcast_in_dim3A_19, %broadcast_in_dim3A_21 : vector<16xi1>, vector<16xi32>
    %add3A_382 = arith.addi %add3A_376, %select_n3A_381 : vector<16xi32>
    %get3A_383 = arith.constant 960 : index
    %get3A_384 = tpu.vector_load %arg5[%get3A_383] {strides = array<i32>} : memref<1280xi32, #tpu.memory_space<vmem>>, vector<16xi32>,
    %get3A_385 = vector.shape_cast %get3A_384 : vector<16xi32> to vector<16xi32>
    %eq3A_386 = arith.cmpi eq, %get3A_385, %broadcast_in_dim3A_19 : vector<16xi32>
    %select_n3A_387 = arith.select %eq3A_386, %broadcast_in_dim3A_19, %broadcast_in_dim3A_21 : vector<16xi1>, vector<16xi32>
    %add3A_388 = arith.addi %add3A_382, %select_n3A_387 : vector<16xi32>
    %get3A_389 = arith.constant 976 : index
    %get3A_390 = tpu.vector_load %arg5[%get3A_389] {strides = array<i32>} : memref<1280xi32, #tpu.memory_space<vmem>>, vector<16xi32>,
    %get3A_391 = vector.shape_cast %get3A_390 : vector<16xi32> to vector<16xi32>
    %eq3A_392 = arith.cmpi eq, %get3A_391, %broadcast_in_dim3A_19 : vector<16xi32>
    %select_n3A_393 = arith.select %eq3A_392, %broadcast_in_dim3A_19, %broadcast_in_dim3A_21 : vector<16xi1>, vector<16xi32>
    %add3A_394 = arith.addi %add3A_388, %select_n3A_393 : vector<16xi32>
    %get3A_395 = arith.constant 992 : index
    %get3A_396 = tpu.vector_load %arg5[%get3A_395] {strides = array<i32>} : memref<1280xi32, #tpu.memory_space<vmem>>, vector<16xi32>,
    %get3A_397 = vector.shape_cast %get3A_396 : vector<16xi32> to vector<16xi32>
    %eq3A_398 = arith.cmpi eq, %get3A_397, %broadcast_in_dim3A_19 : vector<16xi32>
    %select_n3A_399 = arith.select %eq3A_398, %broadcast_in_dim3A_19, %broadcast_in_dim3A_21 : vector<16xi1>, vector<16xi32>
    %add3A_400 = arith.addi %add3A_394, %select_n3A_399 : vector<16xi32>
    %get3A_401 = arith.constant 1008 : index
    %get3A_402 = tpu.vector_load %arg5[%get3A_401] {strides = array<i32>} : memref<1280xi32, #tpu.memory_space<vmem>>, vector<16xi32>,
    %get3A_403 = vector.shape_cast %get3A_402 : vector<16xi32> to vector<16xi32>
    %eq3A_404 = arith.cmpi eq, %get3A_403, %broadcast_in_dim3A_19 : vector<16xi32>
    %select_n3A_405 = arith.select %eq3A_404, %broadcast_in_dim3A_19, %broadcast_in_dim3A_21 : vector<16xi1>, vector<16xi32>
    %add3A_406 = arith.addi %add3A_400, %select_n3A_405 : vector<16xi32>
    %get3A_407 = arith.constant 1024 : index
    %get3A_408 = tpu.vector_load %arg5[%get3A_407] {strides = array<i32>} : memref<1280xi32, #tpu.memory_space<vmem>>, vector<16xi32>,
    %get3A_409 = vector.shape_cast %get3A_408 : vector<16xi32> to vector<16xi32>
    %eq3A_410 = arith.cmpi eq, %get3A_409, %broadcast_in_dim3A_19 : vector<16xi32>
    %select_n3A_411 = arith.select %eq3A_410, %broadcast_in_dim3A_19, %broadcast_in_dim3A_21 : vector<16xi1>, vector<16xi32>
    %add3A_412 = arith.addi %add3A_406, %select_n3A_411 : vector<16xi32>
    %get3A_413 = arith.constant 1040 : index
    %get3A_414 = tpu.vector_load %arg5[%get3A_413] {strides = array<i32>} : memref<1280xi32, #tpu.memory_space<vmem>>, vector<16xi32>,
    %get3A_415 = vector.shape_cast %get3A_414 : vector<16xi32> to vector<16xi32>
    %eq3A_416 = arith.cmpi eq, %get3A_415, %broadcast_in_dim3A_19 : vector<16xi32>
    %select_n3A_417 = arith.select %eq3A_416, %broadcast_in_dim3A_19, %broadcast_in_dim3A_21 : vector<16xi1>, vector<16xi32>
    %add3A_418 = arith.addi %add3A_412, %select_n3A_417 : vector<16xi32>
    %get3A_419 = arith.constant 1056 : index
    %get3A_420 = tpu.vector_load %arg5[%get3A_419] {strides = array<i32>} : memref<1280xi32, #tpu.memory_space<vmem>>, vector<16xi32>,
    %get3A_421 = vector.shape_cast %get3A_420 : vector<16xi32> to vector<16xi32>
    %eq3A_422 = arith.cmpi eq, %get3A_421, %broadcast_in_dim3A_19 : vector<16xi32>
    %select_n3A_423 = arith.select %eq3A_422, %broadcast_in_dim3A_19, %broadcast_in_dim3A_21 : vector<16xi1>, vector<16xi32>
    %add3A_424 = arith.addi %add3A_418, %select_n3A_423 : vector<16xi32>
    %get3A_425 = arith.constant 1072 : index
    %get3A_426 = tpu.vector_load %arg5[%get3A_425] {strides = array<i32>} : memref<1280xi32, #tpu.memory_space<vmem>>, vector<16xi32>,
    %get3A_427 = vector.shape_cast %get3A_426 : vector<16xi32> to vector<16xi32>
    %eq3A_428 = arith.cmpi eq, %get3A_427, %broadcast_in_dim3A_19 : vector<16xi32>
    %select_n3A_429 = arith.select %eq3A_428, %broadcast_in_dim3A_19, %broadcast_in_dim3A_21 : vector<16xi1>, vector<16xi32>
    %add3A_430 = arith.addi %add3A_424, %select_n3A_429 : vector<16xi32>
    %get3A_431 = arith.constant 1088 : index
    %get3A_432 = tpu.vector_load %arg5[%get3A_431] {strides = array<i32>} : memref<1280xi32, #tpu.memory_space<vmem>>, vector<16xi32>,
    %get3A_433 = vector.shape_cast %get3A_432 : vector<16xi32> to vector<16xi32>
    %eq3A_434 = arith.cmpi eq, %get3A_433, %broadcast_in_dim3A_19 : vector<16xi32>
    %select_n3A_435 = arith.select %eq3A_434, %broadcast_in_dim3A_19, %broadcast_in_dim3A_21 : vector<16xi1>, vector<16xi32>
    %add3A_436 = arith.addi %add3A_430, %select_n3A_435 : vector<16xi32>
    %get3A_437 = arith.constant 1104 : index
    %get3A_438 = tpu.vector_load %arg5[%get3A_437] {strides = array<i32>} : memref<1280xi32, #tpu.memory_space<vmem>>, vector<16xi32>,
    %get3A_439 = vector.shape_cast %get3A_438 : vector<16xi32> to vector<16xi32>
    %eq3A_440 = arith.cmpi eq, %get3A_439, %broadcast_in_dim3A_19 : vector<16xi32>
    %select_n3A_441 = arith.select %eq3A_440, %broadcast_in_dim3A_19, %broadcast_in_dim3A_21 : vector<16xi1>, vector<16xi32>
    %add3A_442 = arith.addi %add3A_436, %select_n3A_441 : vector<16xi32>
    %get3A_443 = arith.constant 1120 : index
    %get3A_444 = tpu.vector_load %arg5[%get3A_443] {strides = array<i32>} : memref<1280xi32, #tpu.memory_space<vmem>>, vector<16xi32>,
    %get3A_445 = vector.shape_cast %get3A_444 : vector<16xi32> to vector<16xi32>
    %eq3A_446 = arith.cmpi eq, %get3A_445, %broadcast_in_dim3A_19 : vector<16xi32>
    %select_n3A_447 = arith.select %eq3A_446, %broadcast_in_dim3A_19, %broadcast_in_dim3A_21 : vector<16xi1>, vector<16xi32>
    %add3A_448 = arith.addi %add3A_442, %select_n3A_447 : vector<16xi32>
    %get3A_449 = arith.constant 1136 : index
    %get3A_450 = tpu.vector_load %arg5[%get3A_449] {strides = array<i32>} : memref<1280xi32, #tpu.memory_space<vmem>>, vector<16xi32>,
    %get3A_451 = vector.shape_cast %get3A_450 : vector<16xi32> to vector<16xi32>
    %eq3A_452 = arith.cmpi eq, %get3A_451, %broadcast_in_dim3A_19 : vector<16xi32>
    %select_n3A_453 = arith.select %eq3A_452, %broadcast_in_dim3A_19, %broadcast_in_dim3A_21 : vector<16xi1>, vector<16xi32>
    %add3A_454 = arith.addi %add3A_448, %select_n3A_453 : vector<16xi32>
    %get3A_455 = arith.constant 1152 : index
    %get3A_456 = tpu.vector_load %arg5[%get3A_455] {strides = array<i32>} : memref<1280xi32, #tpu.memory_space<vmem>>, vector<16xi32>,
    %get3A_457 = vector.shape_cast %get3A_456 : vector<16xi32> to vector<16xi32>
    %eq3A_458 = arith.cmpi eq, %get3A_457, %broadcast_in_dim3A_19 : vector<16xi32>
    %select_n3A_459 = arith.select %eq3A_458, %broadcast_in_dim3A_19, %broadcast_in_dim3A_21 : vector<16xi1>, vector<16xi32>
    %add3A_460 = arith.addi %add3A_454, %select_n3A_459 : vector<16xi32>
    %get3A_461 = arith.constant 1168 : index
    %get3A_462 = tpu.vector_load %arg5[%get3A_461] {strides = array<i32>} : memref<1280xi32, #tpu.memory_space<vmem>>, vector<16xi32>,
    %get3A_463 = vector.shape_cast %get3A_462 : vector<16xi32> to vector<16xi32>
    %eq3A_464 = arith.cmpi eq, %get3A_463, %broadcast_in_dim3A_19 : vector<16xi32>
    %select_n3A_465 = arith.select %eq3A_464, %broadcast_in_dim3A_19, %broadcast_in_dim3A_21 : vector<16xi1>, vector<16xi32>
    %add3A_466 = arith.addi %add3A_460, %select_n3A_465 : vector<16xi32>
    %get3A_467 = arith.constant 1184 : index
    %get3A_468 = tpu.vector_load %arg5[%get3A_467] {strides = array<i32>} : memref<1280xi32, #tpu.memory_space<vmem>>, vector<16xi32>,
    %get3A_469 = vector.shape_cast %get3A_468 : vector<16xi32> to vector<16xi32>
    %eq3A_470 = arith.cmpi eq, %get3A_469, %broadcast_in_dim3A_19 : vector<16xi32>
    %select_n3A_471 = arith.select %eq3A_470, %broadcast_in_dim3A_19, %broadcast_in_dim3A_21 : vector<16xi1>, vector<16xi32>
    %add3A_472 = arith.addi %add3A_466, %select_n3A_471 : vector<16xi32>
    %get3A_473 = arith.constant 1200 : index
    %get3A_474 = tpu.vector_load %arg5[%get3A_473] {strides = array<i32>} : memref<1280xi32, #tpu.memory_space<vmem>>, vector<16xi32>,
    %get3A_475 = vector.shape_cast %get3A_474 : vector<16xi32> to vector<16xi32>
    %eq3A_476 = arith.cmpi eq, %get3A_475, %broadcast_in_dim3A_19 : vector<16xi32>
    %select_n3A_477 = arith.select %eq3A_476, %broadcast_in_dim3A_19, %broadcast_in_dim3A_21 : vector<16xi1>, vector<16xi32>
    %add3A_478 = arith.addi %add3A_472, %select_n3A_477 : vector<16xi32>
    %get3A_479 = arith.constant 1216 : index
    %get3A_480 = tpu.vector_load %arg5[%get3A_479] {strides = array<i32>} : memref<1280xi32, #tpu.memory_space<vmem>>, vector<16xi32>,
    %get3A_481 = vector.shape_cast %get3A_480 : vector<16xi32> to vector<16xi32>
    %eq3A_482 = arith.cmpi eq, %get3A_481, %broadcast_in_dim3A_19 : vector<16xi32>
    %select_n3A_483 = arith.select %eq3A_482, %broadcast_in_dim3A_19, %broadcast_in_dim3A_21 : vector<16xi1>, vector<16xi32>
    %add3A_484 = arith.addi %add3A_478, %select_n3A_483 : vector<16xi32>
    %get3A_485 = arith.constant 1232 : index
    %get3A_486 = tpu.vector_load %arg5[%get3A_485] {strides = array<i32>} : memref<1280xi32, #tpu.memory_space<vmem>>, vector<16xi32>,
    %get3A_487 = vector.shape_cast %get3A_486 : vector<16xi32> to vector<16xi32>
    %eq3A_488 = arith.cmpi eq, %get3A_487, %broadcast_in_dim3A_19 : vector<16xi32>
    %select_n3A_489 = arith.select %eq3A_488, %broadcast_in_dim3A_19, %broadcast_in_dim3A_21 : vector<16xi1>, vector<16xi32>
    %add3A_490 = arith.addi %add3A_484, %select_n3A_489 : vector<16xi32>
    %dma_wait3A_491 = arith.constant 1248 : i32
    %dma_wait3A_492 = tpu.memref_slice %arg5[%dma_wait3A_491] : memref<1280xi32, #tpu.memory_space<vmem>> -> memref<32xi32, #tpu.memory_space<vmem>>
    %dma_wait3A_493 = arith.constant 19968 : i32
    %dma_wait3A_494 = tpu.memref_slice %arg2[%dma_wait3A_493] : memref<20000xi32, #tpu.memory_space<hbm>> -> memref<32xi32, #tpu.memory_space<hbm>>
    %dma_wait3A_495 = arith.constant 1248 : i32
    %dma_wait3A_496 = tpu.memref_slice %arg5[%dma_wait3A_495] : memref<1280xi32, #tpu.memory_space<vmem>> -> memref<32xi32, #tpu.memory_space<vmem>>
    %dma_wait3A_497 = arith.constant 19968 : i32
    %dma_wait3A_498 = tpu.memref_slice %arg2[%dma_wait3A_497] : memref<20000xi32, #tpu.memory_space<hbm>> -> memref<32xi32, #tpu.memory_space<hbm>>
    tpu.wait_dma2 semaphore(%arg11 : memref<!tpu.dma_semaphore, #tpu.memory_space<semaphore_mem>>) src(%dma_wait3A_498 : memref<32xi32, #tpu.memory_space<hbm>>) dst(%dma_wait3A_496 : memref<32xi32, #tpu.memory_space<vmem>>)
    %get3A_499 = arith.constant 1248 : index
    %get3A_500 = tpu.vector_load %arg5[%get3A_499] {strides = array<i32>} : memref<1280xi32, #tpu.memory_space<vmem>>, vector<16xi32>,
    %get3A_501 = vector.shape_cast %get3A_500 : vector<16xi32> to vector<16xi32>
    %eq3A_502 = arith.cmpi eq, %get3A_501, %broadcast_in_dim3A_19 : vector<16xi32>
    %select_n3A_503 = arith.select %eq3A_502, %broadcast_in_dim3A_19, %broadcast_in_dim3A_21 : vector<16xi1>, vector<16xi32>
    %add3A_504 = arith.addi %broadcast_in_dim3A_21, %select_n3A_503 : vector<16xi32>
    %get3A_505 = arith.constant 1264 : index
    %get3A_506 = tpu.vector_load %arg5[%get3A_505] {strides = array<i32>} : memref<1280xi32, #tpu.memory_space<vmem>>, vector<16xi32>,
    %get3A_507 = vector.shape_cast %get3A_506 : vector<16xi32> to vector<16xi32>
    %eq3A_508 = arith.cmpi eq, %get3A_507, %broadcast_in_dim3A_19 : vector<16xi32>
    %select_n3A_509 = arith.select %eq3A_508, %broadcast_in_dim3A_19, %broadcast_in_dim3A_21 : vector<16xi1>, vector<16xi32>
    %add3A_510 = arith.addi %add3A_504, %select_n3A_509 : vector<16xi32>
    %eq3A_511 = arith.constant 0 : i32
    %eq3A_512 = arith.cmpi eq, %arg1, %eq3A_511 : i32
    %jit3A = arith.constant 1 : i32
    %jit3A_513 = arith.constant 0 : i32
    %select_n3A_514 = arith.select %eq3A_512, %jit3A, %jit3A_513 : i32
    %broadcast_in_dim3A_515 = vector.broadcast %select_n3A_514 : i32 to vector<16xi32>
    %mul3A_516 = arith.muli %add3A_510, %broadcast_in_dim3A_515 : vector<16xi32>
    %add3A_517 = arith.addi %add3A_490, %mul3A_516 : vector<16xi32>
    %slice3A = vector.extract_strided_slice %add3A_517 {offsets = [0], sizes = [1], strides = [1]} : vector<16xi32> to vector<1xi32>
    %squeeze3A = vector.extract %slice3A[0] : i32 from vector<1xi32>
    %slice3A_518 = vector.extract_strided_slice %add3A_517 {offsets = [1], sizes = [1], strides = [1]} : vector<16xi32> to vector<1xi32>
    %squeeze3A_519 = vector.extract %slice3A_518[0] : i32 from vector<1xi32>
    %add3A_520 = arith.addi %squeeze3A, %squeeze3A_519 : i32
    %slice3A_521 = vector.extract_strided_slice %add3A_517 {offsets = [2], sizes = [1], strides = [1]} : vector<16xi32> to vector<1xi32>
    %squeeze3A_522 = vector.extract %slice3A_521[0] : i32 from vector<1xi32>
    %add3A_523 = arith.addi %add3A_520, %squeeze3A_522 : i32
    %slice3A_524 = vector.extract_strided_slice %add3A_517 {offsets = [3], sizes = [1], strides = [1]} : vector<16xi32> to vector<1xi32>
    %squeeze3A_525 = vector.extract %slice3A_524[0] : i32 from vector<1xi32>
    %add3A_526 = arith.addi %add3A_523, %squeeze3A_525 : i32
    %slice3A_527 = vector.extract_strided_slice %add3A_517 {offsets = [4], sizes = [1], strides = [1]} : vector<16xi32> to vector<1xi32>
    %squeeze3A_528 = vector.extract %slice3A_527[0] : i32 from vector<1xi32>
    %add3A_529 = arith.addi %add3A_526, %squeeze3A_528 : i32
    %slice3A_530 = vector.extract_strided_slice %add3A_517 {offsets = [5], sizes = [1], strides = [1]} : vector<16xi32> to vector<1xi32>
    %squeeze3A_531 = vector.extract %slice3A_530[0] : i32 from vector<1xi32>
    %add3A_532 = arith.addi %add3A_529, %squeeze3A_531 : i32
    %slice3A_533 = vector.extract_strided_slice %add3A_517 {offsets = [6], sizes = [1], strides = [1]} : vector<16xi32> to vector<1xi32>
    %squeeze3A_534 = vector.extract %slice3A_533[0] : i32 from vector<1xi32>
    %add3A_535 = arith.addi %add3A_532, %squeeze3A_534 : i32
    %slice3A_536 = vector.extract_strided_slice %add3A_517 {offsets = [7], sizes = [1], strides = [1]} : vector<16xi32> to vector<1xi32>
    %squeeze3A_537 = vector.extract %slice3A_536[0] : i32 from vector<1xi32>
    %add3A_538 = arith.addi %add3A_535, %squeeze3A_537 : i32
    %slice3A_539 = vector.extract_strided_slice %add3A_517 {offsets = [8], sizes = [1], strides = [1]} : vector<16xi32> to vector<1xi32>
    %squeeze3A_540 = vector.extract %slice3A_539[0] : i32 from vector<1xi32>
    %add3A_541 = arith.addi %add3A_538, %squeeze3A_540 : i32
    %slice3A_542 = vector.extract_strided_slice %add3A_517 {offsets = [9], sizes = [1], strides = [1]} : vector<16xi32> to vector<1xi32>
    %squeeze3A_543 = vector.extract %slice3A_542[0] : i32 from vector<1xi32>
    %add3A_544 = arith.addi %add3A_541, %squeeze3A_543 : i32
    %slice3A_545 = vector.extract_strided_slice %add3A_517 {offsets = [10], sizes = [1], strides = [1]} : vector<16xi32> to vector<1xi32>
    %squeeze3A_546 = vector.extract %slice3A_545[0] : i32 from vector<1xi32>
    %add3A_547 = arith.addi %add3A_544, %squeeze3A_546 : i32
    %slice3A_548 = vector.extract_strided_slice %add3A_517 {offsets = [11], sizes = [1], strides = [1]} : vector<16xi32> to vector<1xi32>
    %squeeze3A_549 = vector.extract %slice3A_548[0] : i32 from vector<1xi32>
    %add3A_550 = arith.addi %add3A_547, %squeeze3A_549 : i32
    %slice3A_551 = vector.extract_strided_slice %add3A_517 {offsets = [12], sizes = [1], strides = [1]} : vector<16xi32> to vector<1xi32>
    %squeeze3A_552 = vector.extract %slice3A_551[0] : i32 from vector<1xi32>
    %add3A_553 = arith.addi %add3A_550, %squeeze3A_552 : i32
    %slice3A_554 = vector.extract_strided_slice %add3A_517 {offsets = [13], sizes = [1], strides = [1]} : vector<16xi32> to vector<1xi32>
    %squeeze3A_555 = vector.extract %slice3A_554[0] : i32 from vector<1xi32>
    %add3A_556 = arith.addi %add3A_553, %squeeze3A_555 : i32
    %slice3A_557 = vector.extract_strided_slice %add3A_517 {offsets = [14], sizes = [1], strides = [1]} : vector<16xi32> to vector<1xi32>
    %squeeze3A_558 = vector.extract %slice3A_557[0] : i32 from vector<1xi32>
    %add3A_559 = arith.addi %add3A_556, %squeeze3A_558 : i32
    %slice3A_560 = vector.extract_strided_slice %add3A_517 {offsets = [15], sizes = [1], strides = [1]} : vector<16xi32> to vector<1xi32>
    %squeeze3A_561 = vector.extract %slice3A_560[0] : i32 from vector<1xi32>
    %add3A_562 = arith.addi %add3A_559, %squeeze3A_561 : i32
    %broadcast_in_dim3A_563 = vector.broadcast %add3A_562 : i32 to vector<16xi32>
    %swap3A = arith.constant 0 : index
    %swap3A_564 = tpu.vector_load %arg6[%swap3A] {strides = array<i32>} : memref<16xi32, #tpu.memory_space<vmem>>, vector<16xi32>,
    %swap3A_565 = vector.shape_cast %swap3A_564 : vector<16xi32> to vector<16xi32>
    %swap3A_566 = vector.shape_cast %broadcast_in_dim3A_563 : vector<16xi32> to vector<16xi32>
    tpu.vector_store %arg6[%swap3A], %swap3A_566 {strides = array<i32>} : memref<16xi32, #tpu.memory_space<vmem>>, vector<16xi32>,
    "tpu.region"() ({
      %run_scoped3A = tpu.sem_alloc : memref<!tpu.dma_semaphore, #tpu.memory_space<semaphore_mem>>
      %dma_start3A_748 = arith.constant 0 : i32
      %dma_start3A_749 = tpu.memref_slice %arg9[%arg1, %dma_start3A_748] : memref<16x16xi32, #tpu.memory_space<vmem_shared>> -> memref<1x16xi32, #tpu.memory_space<vmem_shared>>
      %dma_start3A_750 = tpu.memref_squeeze %dma_start3A_749 : memref<1x16xi32, #tpu.memory_space<vmem_shared>> -> memref<16xi32, #tpu.memory_space<vmem_shared>>
      %dma_start3A_751 = arith.constant 0 : i32
      %dma_start3A_752 = tpu.memref_slice %arg9[%arg1, %dma_start3A_751] : memref<16x16xi32, #tpu.memory_space<vmem_shared>> -> memref<1x16xi32, #tpu.memory_space<vmem_shared>>
      %dma_start3A_753 = tpu.memref_squeeze %dma_start3A_752 : memref<1x16xi32, #tpu.memory_space<vmem_shared>> -> memref<16xi32, #tpu.memory_space<vmem_shared>>
      tpu.enqueue_dma source(%arg6 : memref<16xi32, #tpu.memory_space<vmem>>) target(%dma_start3A_753 : memref<16xi32, #tpu.memory_space<vmem_shared>>) target_semaphore(%run_scoped3A : memref<!tpu.dma_semaphore, #tpu.memory_space<semaphore_mem>>)
      %dma_wait3A_754 = arith.constant 0 : i32
      %dma_wait3A_755 = tpu.memref_slice %arg9[%arg1, %dma_wait3A_754] : memref<16x16xi32, #tpu.memory_space<vmem_shared>> -> memref<1x16xi32, #tpu.memory_space<vmem_shared>>
      %dma_wait3A_756 = tpu.memref_squeeze %dma_wait3A_755 : memref<1x16xi32, #tpu.memory_space<vmem_shared>> -> memref<16xi32, #tpu.memory_space<vmem_shared>>
      %dma_wait3A_757 = arith.constant 0 : i32
      %dma_wait3A_758 = tpu.memref_slice %arg9[%arg1, %dma_wait3A_757] : memref<16x16xi32, #tpu.memory_space<vmem_shared>> -> memref<1x16xi32, #tpu.memory_space<vmem_shared>>
      %dma_wait3A_759 = tpu.memref_squeeze %dma_wait3A_758 : memref<1x16xi32, #tpu.memory_space<vmem_shared>> -> memref<16xi32, #tpu.memory_space<vmem_shared>>
      tpu.wait_dma2 semaphore(%run_scoped3A : memref<!tpu.dma_semaphore, #tpu.memory_space<semaphore_mem>>) src(%arg6 : memref<16xi32, #tpu.memory_space<vmem>>) dst(%dma_wait3A_759 : memref<16xi32, #tpu.memory_space<vmem_shared>>)
      tpu.yield
    }) : () -> ()
    %barrier3A = arith.constant 0 : index
    tpu.barrier barrier_id(%barrier3A)
    "tpu.region"() ({
      %run_scoped3A = tpu.sem_alloc : memref<!tpu.dma_semaphore, #tpu.memory_space<semaphore_mem>>
      tpu.enqueue_dma source(%arg9 : memref<16x16xi32, #tpu.memory_space<vmem_shared>>) target(%arg7 : memref<16x16xi32, #tpu.memory_space<vmem>>) target_semaphore(%run_scoped3A : memref<!tpu.dma_semaphore, #tpu.memory_space<semaphore_mem>>)
      tpu.wait_dma2 semaphore(%run_scoped3A : memref<!tpu.dma_semaphore, #tpu.memory_space<semaphore_mem>>) src(%arg9 : memref<16x16xi32, #tpu.memory_space<vmem_shared>>) dst(%arg7 : memref<16x16xi32, #tpu.memory_space<vmem>>)
      tpu.yield
    }) : () -> ()
    %get3A_567 = arith.constant 0 : i32
    %get3A_568 = arith.index_cast %get3A_567 : i32 to index
    %get3A_569 = arith.constant 0 : index
    %get3A_570 = tpu.vector_load %arg7[%get3A_568, %get3A_569] {strides = array<i32>} : memref<16x16xi32, #tpu.memory_space<vmem>>, vector<1x16xi32>,
    %get3A_571 = vector.shape_cast %get3A_570 : vector<1x16xi32> to vector<16xi32>
    %add3A_572 = arith.addi %broadcast_in_dim3A_21, %get3A_571 : vector<16xi32>
    %get3A_573 = arith.constant 1 : i32
    %get3A_574 = arith.index_cast %get3A_573 : i32 to index
    %get3A_575 = arith.constant 0 : index
    %get3A_576 = tpu.vector_load %arg7[%get3A_574, %get3A_575] {strides = array<i32>} : memref<16x16xi32, #tpu.memory_space<vmem>>, vector<1x16xi32>,
    %get3A_577 = vector.shape_cast %get3A_576 : vector<1x16xi32> to vector<16xi32>
    %add3A_578 = arith.addi %add3A_572, %get3A_577 : vector<16xi32>
    %get3A_579 = arith.constant 2 : i32
    %get3A_580 = arith.index_cast %get3A_579 : i32 to index
    %get3A_581 = arith.constant 0 : index
    %get3A_582 = tpu.vector_load %arg7[%get3A_580, %get3A_581] {strides = array<i32>} : memref<16x16xi32, #tpu.memory_space<vmem>>, vector<1x16xi32>,
    %get3A_583 = vector.shape_cast %get3A_582 : vector<1x16xi32> to vector<16xi32>
    %add3A_584 = arith.addi %add3A_578, %get3A_583 : vector<16xi32>
    %get3A_585 = arith.constant 3 : i32
    %get3A_586 = arith.index_cast %get3A_585 : i32 to index
    %get3A_587 = arith.constant 0 : index
    %get3A_588 = tpu.vector_load %arg7[%get3A_586, %get3A_587] {strides = array<i32>} : memref<16x16xi32, #tpu.memory_space<vmem>>, vector<1x16xi32>,
    %get3A_589 = vector.shape_cast %get3A_588 : vector<1x16xi32> to vector<16xi32>
    %add3A_590 = arith.addi %add3A_584, %get3A_589 : vector<16xi32>
    %get3A_591 = arith.constant 4 : i32
    %get3A_592 = arith.index_cast %get3A_591 : i32 to index
    %get3A_593 = arith.constant 0 : index
    %get3A_594 = tpu.vector_load %arg7[%get3A_592, %get3A_593] {strides = array<i32>} : memref<16x16xi32, #tpu.memory_space<vmem>>, vector<1x16xi32>,
    %get3A_595 = vector.shape_cast %get3A_594 : vector<1x16xi32> to vector<16xi32>
    %add3A_596 = arith.addi %add3A_590, %get3A_595 : vector<16xi32>
    %get3A_597 = arith.constant 5 : i32
    %get3A_598 = arith.index_cast %get3A_597 : i32 to index
    %get3A_599 = arith.constant 0 : index
    %get3A_600 = tpu.vector_load %arg7[%get3A_598, %get3A_599] {strides = array<i32>} : memref<16x16xi32, #tpu.memory_space<vmem>>, vector<1x16xi32>,
    %get3A_601 = vector.shape_cast %get3A_600 : vector<1x16xi32> to vector<16xi32>
    %add3A_602 = arith.addi %add3A_596, %get3A_601 : vector<16xi32>
    %get3A_603 = arith.constant 6 : i32
    %get3A_604 = arith.index_cast %get3A_603 : i32 to index
    %get3A_605 = arith.constant 0 : index
    %get3A_606 = tpu.vector_load %arg7[%get3A_604, %get3A_605] {strides = array<i32>} : memref<16x16xi32, #tpu.memory_space<vmem>>, vector<1x16xi32>,
    %get3A_607 = vector.shape_cast %get3A_606 : vector<1x16xi32> to vector<16xi32>
    %add3A_608 = arith.addi %add3A_602, %get3A_607 : vector<16xi32>
    %get3A_609 = arith.constant 7 : i32
    %get3A_610 = arith.index_cast %get3A_609 : i32 to index
    %get3A_611 = arith.constant 0 : index
    %get3A_612 = tpu.vector_load %arg7[%get3A_610, %get3A_611] {strides = array<i32>} : memref<16x16xi32, #tpu.memory_space<vmem>>, vector<1x16xi32>,
    %get3A_613 = vector.shape_cast %get3A_612 : vector<1x16xi32> to vector<16xi32>
    %add3A_614 = arith.addi %add3A_608, %get3A_613 : vector<16xi32>
    %get3A_615 = arith.constant 8 : i32
    %get3A_616 = arith.index_cast %get3A_615 : i32 to index
    %get3A_617 = arith.constant 0 : index
    %get3A_618 = tpu.vector_load %arg7[%get3A_616, %get3A_617] {strides = array<i32>} : memref<16x16xi32, #tpu.memory_space<vmem>>, vector<1x16xi32>,
    %get3A_619 = vector.shape_cast %get3A_618 : vector<1x16xi32> to vector<16xi32>
    %add3A_620 = arith.addi %add3A_614, %get3A_619 : vector<16xi32>
    %get3A_621 = arith.constant 9 : i32
    %get3A_622 = arith.index_cast %get3A_621 : i32 to index
    %get3A_623 = arith.constant 0 : index
    %get3A_624 = tpu.vector_load %arg7[%get3A_622, %get3A_623] {strides = array<i32>} : memref<16x16xi32, #tpu.memory_space<vmem>>, vector<1x16xi32>,
    %get3A_625 = vector.shape_cast %get3A_624 : vector<1x16xi32> to vector<16xi32>
    %add3A_626 = arith.addi %add3A_620, %get3A_625 : vector<16xi32>
    %get3A_627 = arith.constant 10 : i32
    %get3A_628 = arith.index_cast %get3A_627 : i32 to index
    %get3A_629 = arith.constant 0 : index
    %get3A_630 = tpu.vector_load %arg7[%get3A_628, %get3A_629] {strides = array<i32>} : memref<16x16xi32, #tpu.memory_space<vmem>>, vector<1x16xi32>,
    %get3A_631 = vector.shape_cast %get3A_630 : vector<1x16xi32> to vector<16xi32>
    %add3A_632 = arith.addi %add3A_626, %get3A_631 : vector<16xi32>
    %get3A_633 = arith.constant 11 : i32
    %get3A_634 = arith.index_cast %get3A_633 : i32 to index
    %get3A_635 = arith.constant 0 : index
    %get3A_636 = tpu.vector_load %arg7[%get3A_634, %get3A_635] {strides = array<i32>} : memref<16x16xi32, #tpu.memory_space<vmem>>, vector<1x16xi32>,
    %get3A_637 = vector.shape_cast %get3A_636 : vector<1x16xi32> to vector<16xi32>
    %add3A_638 = arith.addi %add3A_632, %get3A_637 : vector<16xi32>
    %get3A_639 = arith.constant 12 : i32
    %get3A_640 = arith.index_cast %get3A_639 : i32 to index
    %get3A_641 = arith.constant 0 : index
    %get3A_642 = tpu.vector_load %arg7[%get3A_640, %get3A_641] {strides = array<i32>} : memref<16x16xi32, #tpu.memory_space<vmem>>, vector<1x16xi32>,
    %get3A_643 = vector.shape_cast %get3A_642 : vector<1x16xi32> to vector<16xi32>
    %add3A_644 = arith.addi %add3A_638, %get3A_643 : vector<16xi32>
    %get3A_645 = arith.constant 13 : i32
    %get3A_646 = arith.index_cast %get3A_645 : i32 to index
    %get3A_647 = arith.constant 0 : index
    %get3A_648 = tpu.vector_load %arg7[%get3A_646, %get3A_647] {strides = array<i32>} : memref<16x16xi32, #tpu.memory_space<vmem>>, vector<1x16xi32>,
    %get3A_649 = vector.shape_cast %get3A_648 : vector<1x16xi32> to vector<16xi32>
    %add3A_650 = arith.addi %add3A_644, %get3A_649 : vector<16xi32>
    %get3A_651 = arith.constant 14 : i32
    %get3A_652 = arith.index_cast %get3A_651 : i32 to index
    %get3A_653 = arith.constant 0 : index
    %get3A_654 = tpu.vector_load %arg7[%get3A_652, %get3A_653] {strides = array<i32>} : memref<16x16xi32, #tpu.memory_space<vmem>>, vector<1x16xi32>,
    %get3A_655 = vector.shape_cast %get3A_654 : vector<1x16xi32> to vector<16xi32>
    %add3A_656 = arith.addi %add3A_650, %get3A_655 : vector<16xi32>
    %get3A_657 = arith.constant 15 : i32
    %get3A_658 = arith.index_cast %get3A_657 : i32 to index
    %get3A_659 = arith.constant 0 : index
    %get3A_660 = tpu.vector_load %arg7[%get3A_658, %get3A_659] {strides = array<i32>} : memref<16x16xi32, #tpu.memory_space<vmem>>, vector<1x16xi32>,
    %get3A_661 = vector.shape_cast %get3A_660 : vector<1x16xi32> to vector<16xi32>
    %add3A_662 = arith.addi %add3A_656, %get3A_661 : vector<16xi32>
    %convert_element_type3A = arith.sitofp %add3A_662 : vector<16xi32> to vector<16xf32>
    %broadcast_in_dim3A_663 = arith.constant 0.000000e+00 : f32
    %broadcast_in_dim3A_664 = vector.broadcast %broadcast_in_dim3A_663 : f32 to vector<16xf32>
    %broadcast_in_dim3A_665 = arith.constant 1.000000e+00 : f32
    %broadcast_in_dim3A_666 = vector.broadcast %broadcast_in_dim3A_665 : f32 to vector<16xf32>
    %dma_wait3A_667 = tpu.memref_slice %arg3[%min3A_1] : memref<2000xf32, #tpu.memory_space<hbm>> -> memref<128xf32, #tpu.memory_space<hbm>>
    %dma_wait3A_668 = tpu.memref_slice %arg3[%min3A_1] : memref<2000xf32, #tpu.memory_space<hbm>> -> memref<128xf32, #tpu.memory_space<hbm>>
    tpu.wait_dma2 semaphore(%arg12 : memref<!tpu.dma_semaphore, #tpu.memory_space<semaphore_mem>>) src(%dma_wait3A_668 : memref<128xf32, #tpu.memory_space<hbm>>) dst(%arg8 : memref<128xf32, #tpu.memory_space<vmem>>)
    %get3A_669 = arith.constant 0 : index
    %get3A_670 = tpu.vector_load %arg8[%get3A_669] {strides = array<i32>} : memref<128xf32, #tpu.memory_space<vmem>>, vector<16xf32>,
    %get3A_671 = vector.shape_cast %get3A_670 : vector<16xf32> to vector<16xf32>
    %mul3A_672 = arith.mulf %get3A_671, %convert_element_type3A : vector<16xf32>
    %max3A = arith.maximumf %mul3A_672, %broadcast_in_dim3A_664 : vector<16xf32>
    %min3A_673 = arith.minimumf %max3A, %broadcast_in_dim3A_666 : vector<16xf32>
    %swap3A_674 = arith.constant 0 : index
    %swap3A_675 = tpu.vector_load %arg8[%swap3A_674] {strides = array<i32>} : memref<128xf32, #tpu.memory_space<vmem>>, vector<16xf32>,
    %swap3A_676 = vector.shape_cast %swap3A_675 : vector<16xf32> to vector<16xf32>
    %swap3A_677 = vector.shape_cast %min3A_673 : vector<16xf32> to vector<16xf32>
    tpu.vector_store %arg8[%swap3A_674], %swap3A_677 {strides = array<i32>} : memref<128xf32, #tpu.memory_space<vmem>>, vector<16xf32>,
    %get3A_678 = arith.constant 16 : index
    %get3A_679 = tpu.vector_load %arg8[%get3A_678] {strides = array<i32>} : memref<128xf32, #tpu.memory_space<vmem>>, vector<16xf32>,
    %get3A_680 = vector.shape_cast %get3A_679 : vector<16xf32> to vector<16xf32>
    %mul3A_681 = arith.mulf %get3A_680, %convert_element_type3A : vector<16xf32>
    %max3A_682 = arith.maximumf %mul3A_681, %broadcast_in_dim3A_664 : vector<16xf32>
    %min3A_683 = arith.minimumf %max3A_682, %broadcast_in_dim3A_666 : vector<16xf32>
    %swap3A_684 = arith.constant 16 : index
    %swap3A_685 = tpu.vector_load %arg8[%swap3A_684] {strides = array<i32>} : memref<128xf32, #tpu.memory_space<vmem>>, vector<16xf32>,
    %swap3A_686 = vector.shape_cast %swap3A_685 : vector<16xf32> to vector<16xf32>
    %swap3A_687 = vector.shape_cast %min3A_683 : vector<16xf32> to vector<16xf32>
    tpu.vector_store %arg8[%swap3A_684], %swap3A_687 {strides = array<i32>} : memref<128xf32, #tpu.memory_space<vmem>>, vector<16xf32>,
    %get3A_688 = arith.constant 32 : index
    %get3A_689 = tpu.vector_load %arg8[%get3A_688] {strides = array<i32>} : memref<128xf32, #tpu.memory_space<vmem>>, vector<16xf32>,
    %get3A_690 = vector.shape_cast %get3A_689 : vector<16xf32> to vector<16xf32>
    %mul3A_691 = arith.mulf %get3A_690, %convert_element_type3A : vector<16xf32>
    %max3A_692 = arith.maximumf %mul3A_691, %broadcast_in_dim3A_664 : vector<16xf32>
    %min3A_693 = arith.minimumf %max3A_692, %broadcast_in_dim3A_666 : vector<16xf32>
    %swap3A_694 = arith.constant 32 : index
    %swap3A_695 = tpu.vector_load %arg8[%swap3A_694] {strides = array<i32>} : memref<128xf32, #tpu.memory_space<vmem>>, vector<16xf32>,
    %swap3A_696 = vector.shape_cast %swap3A_695 : vector<16xf32> to vector<16xf32>
    %swap3A_697 = vector.shape_cast %min3A_693 : vector<16xf32> to vector<16xf32>
    tpu.vector_store %arg8[%swap3A_694], %swap3A_697 {strides = array<i32>} : memref<128xf32, #tpu.memory_space<vmem>>, vector<16xf32>,
    %get3A_698 = arith.constant 48 : index
    %get3A_699 = tpu.vector_load %arg8[%get3A_698] {strides = array<i32>} : memref<128xf32, #tpu.memory_space<vmem>>, vector<16xf32>,
    %get3A_700 = vector.shape_cast %get3A_699 : vector<16xf32> to vector<16xf32>
    %mul3A_701 = arith.mulf %get3A_700, %convert_element_type3A : vector<16xf32>
    %max3A_702 = arith.maximumf %mul3A_701, %broadcast_in_dim3A_664 : vector<16xf32>
    %min3A_703 = arith.minimumf %max3A_702, %broadcast_in_dim3A_666 : vector<16xf32>
    %swap3A_704 = arith.constant 48 : index
    %swap3A_705 = tpu.vector_load %arg8[%swap3A_704] {strides = array<i32>} : memref<128xf32, #tpu.memory_space<vmem>>, vector<16xf32>,
    %swap3A_706 = vector.shape_cast %swap3A_705 : vector<16xf32> to vector<16xf32>
    %swap3A_707 = vector.shape_cast %min3A_703 : vector<16xf32> to vector<16xf32>
    tpu.vector_store %arg8[%swap3A_704], %swap3A_707 {strides = array<i32>} : memref<128xf32, #tpu.memory_space<vmem>>, vector<16xf32>,
    %get3A_708 = arith.constant 64 : index
    %get3A_709 = tpu.vector_load %arg8[%get3A_708] {strides = array<i32>} : memref<128xf32, #tpu.memory_space<vmem>>, vector<16xf32>,
    %get3A_710 = vector.shape_cast %get3A_709 : vector<16xf32> to vector<16xf32>
    %mul3A_711 = arith.mulf %get3A_710, %convert_element_type3A : vector<16xf32>
    %max3A_712 = arith.maximumf %mul3A_711, %broadcast_in_dim3A_664 : vector<16xf32>
    %min3A_713 = arith.minimumf %max3A_712, %broadcast_in_dim3A_666 : vector<16xf32>
    %swap3A_714 = arith.constant 64 : index
    %swap3A_715 = tpu.vector_load %arg8[%swap3A_714] {strides = array<i32>} : memref<128xf32, #tpu.memory_space<vmem>>, vector<16xf32>,
    %swap3A_716 = vector.shape_cast %swap3A_715 : vector<16xf32> to vector<16xf32>
    %swap3A_717 = vector.shape_cast %min3A_713 : vector<16xf32> to vector<16xf32>
    tpu.vector_store %arg8[%swap3A_714], %swap3A_717 {strides = array<i32>} : memref<128xf32, #tpu.memory_space<vmem>>, vector<16xf32>,
    %get3A_718 = arith.constant 80 : index
    %get3A_719 = tpu.vector_load %arg8[%get3A_718] {strides = array<i32>} : memref<128xf32, #tpu.memory_space<vmem>>, vector<16xf32>,
    %get3A_720 = vector.shape_cast %get3A_719 : vector<16xf32> to vector<16xf32>
    %mul3A_721 = arith.mulf %get3A_720, %convert_element_type3A : vector<16xf32>
    %max3A_722 = arith.maximumf %mul3A_721, %broadcast_in_dim3A_664 : vector<16xf32>
    %min3A_723 = arith.minimumf %max3A_722, %broadcast_in_dim3A_666 : vector<16xf32>
    %swap3A_724 = arith.constant 80 : index
    %swap3A_725 = tpu.vector_load %arg8[%swap3A_724] {strides = array<i32>} : memref<128xf32, #tpu.memory_space<vmem>>, vector<16xf32>,
    %swap3A_726 = vector.shape_cast %swap3A_725 : vector<16xf32> to vector<16xf32>
    %swap3A_727 = vector.shape_cast %min3A_723 : vector<16xf32> to vector<16xf32>
    tpu.vector_store %arg8[%swap3A_724], %swap3A_727 {strides = array<i32>} : memref<128xf32, #tpu.memory_space<vmem>>, vector<16xf32>,
    %get3A_728 = arith.constant 96 : index
    %get3A_729 = tpu.vector_load %arg8[%get3A_728] {strides = array<i32>} : memref<128xf32, #tpu.memory_space<vmem>>, vector<16xf32>,
    %get3A_730 = vector.shape_cast %get3A_729 : vector<16xf32> to vector<16xf32>
    %mul3A_731 = arith.mulf %get3A_730, %convert_element_type3A : vector<16xf32>
    %max3A_732 = arith.maximumf %mul3A_731, %broadcast_in_dim3A_664 : vector<16xf32>
    %min3A_733 = arith.minimumf %max3A_732, %broadcast_in_dim3A_666 : vector<16xf32>
    %swap3A_734 = arith.constant 96 : index
    %swap3A_735 = tpu.vector_load %arg8[%swap3A_734] {strides = array<i32>} : memref<128xf32, #tpu.memory_space<vmem>>, vector<16xf32>,
    %swap3A_736 = vector.shape_cast %swap3A_735 : vector<16xf32> to vector<16xf32>
    %swap3A_737 = vector.shape_cast %min3A_733 : vector<16xf32> to vector<16xf32>
    tpu.vector_store %arg8[%swap3A_734], %swap3A_737 {strides = array<i32>} : memref<128xf32, #tpu.memory_space<vmem>>, vector<16xf32>,
    %get3A_738 = arith.constant 112 : index
    %get3A_739 = tpu.vector_load %arg8[%get3A_738] {strides = array<i32>} : memref<128xf32, #tpu.memory_space<vmem>>, vector<16xf32>,
    %get3A_740 = vector.shape_cast %get3A_739 : vector<16xf32> to vector<16xf32>
    %mul3A_741 = arith.mulf %get3A_740, %convert_element_type3A : vector<16xf32>
    %max3A_742 = arith.maximumf %mul3A_741, %broadcast_in_dim3A_664 : vector<16xf32>
    %min3A_743 = arith.minimumf %max3A_742, %broadcast_in_dim3A_666 : vector<16xf32>
    %swap3A_744 = arith.constant 112 : index
    %swap3A_745 = tpu.vector_load %arg8[%swap3A_744] {strides = array<i32>} : memref<128xf32, #tpu.memory_space<vmem>>, vector<16xf32>,
    %swap3A_746 = vector.shape_cast %swap3A_745 : vector<16xf32> to vector<16xf32>
    %swap3A_747 = vector.shape_cast %min3A_743 : vector<16xf32> to vector<16xf32>
    tpu.vector_store %arg8[%swap3A_744], %swap3A_747 {strides = array<i32>} : memref<128xf32, #tpu.memory_space<vmem>>, vector<16xf32>,
    "tpu.region"() ({
      %run_scoped3A = tpu.sem_alloc : memref<!tpu.dma_semaphore, #tpu.memory_space<semaphore_mem>>
      %dma_start3A_748 = tpu.memref_slice %arg4[%min3A_1] : memref<2000xf32, #tpu.memory_space<hbm>> -> memref<128xf32, #tpu.memory_space<hbm>>
      %dma_start3A_749 = tpu.memref_slice %arg4[%min3A_1] : memref<2000xf32, #tpu.memory_space<hbm>> -> memref<128xf32, #tpu.memory_space<hbm>>
      tpu.enqueue_dma source(%arg8 : memref<128xf32, #tpu.memory_space<vmem>>) target(%dma_start3A_749 : memref<128xf32, #tpu.memory_space<hbm>>) target_semaphore(%run_scoped3A : memref<!tpu.dma_semaphore, #tpu.memory_space<semaphore_mem>>)
      %dma_wait3A_750 = tpu.memref_slice %arg4[%min3A_1] : memref<2000xf32, #tpu.memory_space<hbm>> -> memref<128xf32, #tpu.memory_space<hbm>>
      %dma_wait3A_751 = tpu.memref_slice %arg4[%min3A_1] : memref<2000xf32, #tpu.memory_space<hbm>> -> memref<128xf32, #tpu.memory_space<hbm>>
      tpu.wait_dma2 semaphore(%run_scoped3A : memref<!tpu.dma_semaphore, #tpu.memory_space<semaphore_mem>>) src(%arg8 : memref<128xf32, #tpu.memory_space<vmem>>) dst(%dma_wait3A_751 : memref<128xf32, #tpu.memory_space<hbm>>)
      tpu.yield
    }) : () -> ()
    return
  }
}

</mosaic_0001>

<sc_bundles>
// kernel: kernel.3.cloned.1.call-start
scs
__scs_entry_jumppad:
0x0: {  	(pc) =	sbr.rel $0x88, $3  }
0x1: {  	(tag) =	ssettag $0x0;
	lr =	simm.s32 $0x1  }
0x2: {  	[smem:$0x3F9F] =	sst lr;
	_ =	strace $0xD0000000  }
0x3: {  	_ = 	snop  }
0x4: {  	_ = 	snop  }
0x5: {  	_ = 	snop  }
0x6: {  	_ = 	snop  }
0x7: {  	_ = 	snop  }
__scs_overlays_trampoline_lowered:
0x8: {  	[smem:$0x3FAE] =	sst s0  }
0x9: {  	[smem:$0x3FAF] =	sst s1  }
0xa: {  	[smem:$0x3FB0] =	sst s2  }
0xb: {  	[smem:$0x3FB1] =	sst s3  }
0xc: {  	[smem:$0x3FB2] =	sst s4  }
0xd: {  	[smem:$0x3FB3] =	sst s5  }
0xe: {  	[smem:$0x3FB4] =	sst s6  }
0xf: {  	[smem:$0x3FB5] =	sst s7  }
0x10: {  	[smem:$0x3FB6] =	sst s8  }
0x11: {  	[smem:$0x3FB7] =	sst s9;
	s0 =	simm.s32 @!p0 $0x0  }
0x12: {  	s1 =	sld [smem:$0x3F9D];
	s0 =	simm.s32 @p0 $0x1  }
0x13: {  	[smem:$0x3FB8] =	sst s0;
	s0 =	simm.s32 @!p1 $0x0  }
0x14: {  	s2 =	sld [smem:$0x3F9C];
	s0 =	simm.s32 @p1 $0x1  }
0x15: {  	[smem:$0x3FB9] =	sst s0;
	s0 =	simm.s32 @!p2 $0x0  }
0x16: {  	s3 =	sld [smem:$0x3FDB];
	s0 =	simm.s32 @p2 $0x1  }
0x17: {  	s4 =	simm.s32 $0x1BF5;
	[smem:$0x3FBB] =	sst s0  }
0x18: {  	s0 =	sld [smem:$0x3F9E];
	_ =	swait.ge [sflag:s4], $0x0  }
0x19: {  	s7 =	sld [smem:$0x3F9F]  }
0x1a: {  	s8 =	sadd.s32 $0xFFFFE003, lr  }
0x1b: {  	s9 =	sadd.s32 $0xFFFFFEF7, lr;
	s5 =	simm.s32 $0xFFFFFFFF;
	p2 =	slt.u32 s8, $0xFFFFF086  }
0x1c: {  	p1 =	slt.u32 s9, $0xF7A;
	s5 =	simm.s32 @!p2 $0x0  }
0x1d: {  	s5 =	simm.s32 @p1 $0x1;
	p0 =	seq.s32 s7, s2  }
0x1e: {  	s7 =	smul.u32 @!p0 $0xF7A, s2;
	p2 =	seq.s32 @!p0 s5, $0x0  }
0x1f: {  	s9 =	smul.u32 $0xF7A, s1;
	s8 =	simm.s32 @!p0 $0x1BF5;
	p2 =	por !p2, p0  }
0x20: {  	[sflag:s8] =	ssyncset.s32 @!p0 $0xFFFFF086;
	s6 =	sadd.s32 @!p0 s3, s7;
	s7 =	simm.s32 @!p0 $0x108  }
0x21: {  	s3 =	sadd.s32 s3, s9;
	s6 =	sadd.s32 @!p0 $0x88, s6;
	s7 =	simm.s32 @p2 $0x1082  }
0x22: {  	[simem:s7], [sflag:s8] =	dma.local @!p0 [hbm:s6], $0xF7A  }
0x23: {  	s9 =	sor.u32 $0xD0000000, s2;
	s6 =	simm.s32 $0x108;
	_ =	swait.ge @!p0 [sflag:s8], $0x0  }
0x24: {  	s3 =	sadd.s32 $0x88, s3;
	s6 =	simm.s32 @!p1 $0x1082;
	[sflag:s4] =	ssyncset.s32 $0xFFFFF086  }
0x25: {  	[simem:s6], [sflag:s4] =	dma.local [hbm:s3], $0xF7A  }
0x26: {  	[smem:$0x3F9F] =	sst s1;
	(tag) =	ssettag s2;
	_ =	strace s9  }
0x27: {  	s1 =	sld [smem:$0x3FAF]  }
0x28: {  	s2 =	sld [smem:$0x3FB0]  }
0x29: {  	s4 =	sld [smem:$0x3FB2]  }
0x2a: {  	p0 =	seq.s32 s5, $0x0;
	s5 =	sld [smem:$0x3FB3]  }
0x2b: {  	s6 =	sld [smem:$0x3FB4]  }
0x2c: {  	s7 =	sld [smem:$0x3FB5]  }
0x2d: {  	s3 =	simm.s32 $0x108;
	s8 =	sld [smem:$0x3FB6]  }
0x2e: {  	s3 =	simm.s32 @!p0 $0x1082;
	s9 =	sld [smem:$0x3FB7]  }
0x2f: {  	lr =	sadd.s32 s0, s3;
	s0 =	sld [smem:$0x3FAE]  }
0x30: {  	s3 =	sld [smem:$0x3FB1]  }
0x31: {  	[smem:$0x3FBA] =	sst s10  }
0x32: {  	s10 =	sld [smem:$0x3FB8];
	_ =	sdelay $0x3  }
0x33: {  	p0 =	seq.s32 s10, $0x1;
	s10 =	sld [smem:$0x3FBA];
	_ =	sdelay $0x3  }
0x34: {  	[smem:$0x3FBA] =	sst s10  }
0x35: {  	s10 =	sld [smem:$0x3FB9];
	_ =	sdelay $0x3  }
0x36: {  	p1 =	seq.s32 s10, $0x1;
	s10 =	sld [smem:$0x3FBA];
	_ =	sdelay $0x3  }
0x37: {  	[smem:$0x3FBA] =	sst s10  }
0x38: {  	s10 =	sld [smem:$0x3FBB]  }
0x39: {  	_ = 	snop;
	(pc) =	sbr.ind lr, $3  }
0x3a: {  	_ = 	snop  }
0x3b: {  	_ = 	snop  }
0x3c: {  	p2 =	seq.s32 s10, $0x1;
	s10 =	sld [smem:$0x3FBA]  }
0x3d: {  	_ =	shalt  }
0x3e: {  	_ =	shalt  }
0x3f: {  	_ =	shalt  }
0x40: {  	_ =	shalt  }
0x41: {  	_ =	shalt  }
0x42: {  	_ =	shalt  }
0x43: {  	_ =	shalt  }
0x44: {  	_ =	shalt  }
0x45: {  	_ =	shalt  }
0x46: {  	_ =	shalt  }
0x47: {  	_ =	shalt  }
0x48: {  	_ =	shalt  }
0x49: {  	_ =	shalt  }
0x4a: {  	_ =	shalt  }
0x4b: {  	_ =	shalt  }
0x4c: {  	_ =	shalt  }
0x4d: {  	_ =	shalt  }
0x4e: {  	_ =	shalt  }
0x4f: {  	_ =	shalt  }
0x50: {  	_ =	shalt  }
0x51: {  	_ =	shalt  }
0x52: {  	_ =	shalt  }
0x53: {  	_ =	shalt  }
0x54: {  	_ =	shalt  }
0x55: {  	_ =	shalt  }
0x56: {  	_ =	shalt  }
0x57: {  	_ =	shalt  }
0x58: {  	_ =	shalt  }
0x59: {  	_ =	shalt  }
0x5a: {  	_ =	shalt  }
0x5b: {  	_ =	shalt  }
0x5c: {  	_ =	shalt  }
0x5d: {  	_ =	shalt  }
0x5e: {  	_ =	shalt  }
0x5f: {  	_ =	shalt  }
0x60: {  	_ =	shalt  }
0x61: {  	_ =	shalt  }
0x62: {  	_ =	shalt  }
0x63: {  	_ =	shalt  }
0x64: {  	_ =	shalt  }
0x65: {  	_ =	shalt  }
0x66: {  	_ =	shalt  }
0x67: {  	_ =	shalt  }
0x68: {  	_ =	shalt  }
0x69: {  	_ =	shalt  }
0x6a: {  	_ =	shalt  }
0x6b: {  	_ =	shalt  }
0x6c: {  	_ =	shalt  }
0x6d: {  	_ =	shalt  }
0x6e: {  	_ =	shalt  }
0x6f: {  	_ =	shalt  }
0x70: {  	_ =	shalt  }
0x71: {  	_ =	shalt  }
0x72: {  	_ =	shalt  }
0x73: {  	_ =	shalt  }
0x74: {  	_ =	shalt  }
0x75: {  	_ =	shalt  }
0x76: {  	_ =	shalt  }
0x77: {  	_ =	shalt  }
0x78: {  	_ =	shalt  }
0x79: {  	_ =	shalt  }
0x7a: {  	_ =	shalt  }
0x7b: {  	_ =	shalt  }
0x7c: {  	_ =	shalt  }
0x7d: {  	_ =	shalt  }
0x7e: {  	_ =	shalt  }
0x7f: {  	_ =	shalt  }
0x80: {  	_ =	shalt  }
0x81: {  	_ =	shalt  }
0x82: {  	_ =	shalt  }
0x83: {  	_ =	shalt  }
0x84: {  	_ =	shalt  }
0x85: {  	_ =	shalt  }
0x86: {  	_ =	shalt  }
0x87: {  	_ =	shalt  }
.Lfunc_end0:
.L_simem_size_0:
called_computation_lowered:
.L_overlay_start_0:
0x88: {  	s0 =	sld [smem:$0x3FD9]  }
0x89: {  	s1 =	sld [smem:$0x3FFE];
	_ =	sdelay $0x3  }
0x8a: {  	s0 =	sadd.s32 s1, s0  }
0x8b: {  	[smem:$0x3FC6] =	sst s0  }
0x8c: {  	_ = 	snop  }
0x8d: {  	s0 =	sld [smem:$0x3FC8]  }
0x8e: {  	s16 =	sld [smem:$0x3FD0];
	(tm) =	ssettm $0x1  }
0x8f: {  	s2 =	sld [smem:$0x3FFB];
	_ =	sdelay $0x3  }
0x90: {  	_ =	strace s2  }
0x91: {  	s2 =	sld [smem:$0x3FFC];
	_ =	sdelay $0x3  }
0x92: {  	_ =	strace s2  }
0x93: {  	s2 =	sld [smem:$0x3FFD];
	_ =	sdelay $0x3  }
0x94: {  	_ =	strace s2  }
0x95: {  	_ =	strace $0x8FFFFFFF  }
0x96: {  	s17 =	sld [smem:$0x3FDB];
	_ =	sdelay $0x1  }
0x97: {  	s3 =	simm.s32 $_scs_section_size  }
0x98: {  	s4 =	simm.s32 $_size__tile_overlayer_lowered;
	s5 =	simm.s32 $_tile_overlayer_lowered  }
0x99: {  	s20 =	simm.s32 $0x1BFF;
	s19 =	sshll.u32 s5, $0x1;
	s2 =	sadd.s32 s3, s17  }
0x9a: {  	s6 =	simm.s32 $0x0;
	s18 =	sshll.u32 s4, $0x1;
	s4 =	sadd.s32 s19, s2  }
0x9b: {  	[timem:s6], [sflag:s20] =	dma.local [hbm:s4], s18  }
0x9c: {  	_ =	swait.ge [sflag:s20], s18  }
0x9d: {  	s3 =	ssub.s32 $0x0, s18;
	[sflag:s20] =	ssyncset.done $0x0  }
0x9e: {  	[sflag:s20] =	ssyncadd.s32 s3;
	_ =	sdelay $0x1  }
0x9f: {  	s21 =	simm.s32 $0x1B8B  }
0xa0: {  	_ =	swait.ge [sflag:s21], $0x1  }
0xa1: {  	[sflag:s21] =	ssyncset.done $0x0  }
0xa2: {  	s23 =	simm.s32 $0x1B8E;
	s22 =	sld [smem:$0x3FFE];
	[sflag:s21] =	ssyncadd.s32 $0xFFFFFFFF  }
0xa3: {  	s24 =	simm.s32 $execute0_lowered;
	[smem:$0x3FD2] =	sst s23  }
0xa4: {  	s4 =	sshll.u32 s24, $0x1;
	_ =	strace $0x80000046;
	[dreg:$0x1] =	wrdreg $0xFFFFFFFF  }
0xa5: {  	s25 =	simm.s32 $_size_execute0_lowered;
	s2 =	sadd.s32 s2, s4;
	[dreg:$0x0] =	wrdreg $0x0  }
0xa6: {  	s4 =	sshll.u32 s25, $0x1;
	[dreg:$0x2] =	wrdreg s2  }
0xa7: {  	[dreg:$0x3] =	wrdreg s4  }
0xa8: {  	[dreg:$0x4] =	wrdreg $0xC0  }
0xa9: {  	_ =	task [dreg:s6], $0x5FFFF  }
0xaa: {  	[dreg:$0x1] =	wrdreg $0xFFFFFFFF  }
0xab: {  	[dreg:$0x0] =	wrdreg $0x60  }
0xac: {  	[dreg:$0x2] =	wrdreg s22  }
0xad: {  	[dreg:$0x3] =	wrdreg s0  }
0xae: {  	[dreg:$0x4] =	wrdreg s16  }
0xaf: {  	[dreg:$0x5] =	wrdreg $0xE000  }
0xb0: {  	[dreg:$0x6] =	wrdreg $0x9  }
0xb1: {  	_ =	task.clear_ibuf [dreg:s6], $0x7FFFF;
	_ =	strace $0x90000046  }
0xb2: {  	s26 =	simm.s32 $0x9;
	_ =	strace $0x80000048  }
0xb3: {  	_ =	swait.ge [sflag:s26], $0x1  }
0xb4: {  	[sflag:s26] =	ssyncadd.s32 $0xFFFFFFFF  }
0xb5: {  	_ =	strace $0x90000048  }
0xb6: {  	_ =	sfence  }
0xb7: {  	s28 =	sld [smem:$0x0];
	_ =	sdelay $0x1  }
0xb8: {  	s29 =	srdreg.scid  }
0xb9: {  	s30 =	sshll.u32 s29, $0xD;
	s31 =	sshrl.u32 s29, $0x2  }
0xba: {  	s1 =	sand.u32 $0x1, s29;
	s2 =	sand.u32 $0x4000, s30;
	s0 =	sadd.s32 s31, s28  }
0xbb: {  	s1 =	sor.u32 s2, s1;
	s0 =	sshll.u32 s0, $0x11  }
0xbc: {  	s0 =	sor.u32 s0, s1  }
0xbd: {  	s0 =	sadd.s32 $0x8F2B, s0  }
0xbe: {  	[sflag:s0] =	ssyncadd.remote.s32 $0x1  }
0xbf: {  	_ =	sfence.sel $0xFFFF  }
0xc0: {  	[dreg:$0x0] =	wrdreg $0xFFFFFFFF;
	(pc) =	sbr.abs _section_cstart, $3  }
0xc1: {  	[dreg:$0x1] =	wrdreg $0xFFFFFFFF  }
0xc2: {  	_ =	task.clear_ibuf [dreg:s6], $0x2FFFF;
	_ =	strace $0x9FFFFFFF  }
0xc3: {  	(tm) =	ssettm $0x7FFFFFFF  }
tec
execute0_lowered:
.L_overlay_start_1:
0x0: {  	(tag) =	ssettag $0x1  }
0x1: {  	s4 =	rddreg [dreg:$0x0]  }
0x2: {  	s5 =	rddreg [dreg:$0x1]  }
0x3: {  	s2 =	rddreg [dreg:$0x2]  }
0x4: {  	s6 =	rddreg [dreg:$0x3];
	s1 =	stileid.u32  }
0x5: {  	s0 =	rddreg [dreg:$0x4];
	s3 =	simm.s32 $0x0;
	s8 =	smul.u32 $0x9C, s1  }
0x6: {  	[smem:$0x7FF] =	sst s3;
	s7 =	sshll.u32 s1, $0x7  }
0x7: {  	_ =	strace $0x80000047;
	s9 =	smin.u32 s7, $0x750;
	s8 =	sadd.s32 s4, s8  }
0x8: {  	[tilespmem:s3], [sflag:$0x1] =	stream.linear.gather [hbm4b:s8+s3], $0x4E0, $0x38;
	[tilespmem:$0xE10] =	vst v63  }
0x9: {  	s31 =	simm.s32 $0x4E0;
	s30 =	sadd.s32 $0x9C0, s4;
	s4 =	sshrl.u32 s9, $0x3  }
0xa: {  	[tilespmem:s31], [sflag:$0x2] =	stream.linear.gather [hbm4b:s30+s3], $0x20, $0x38;
	[tilespmem:$0xE10] =	vst v63  }
0xb: {  	s10 =	simm.s32 $0x1;
	s9 =	sadd.s32 s5, s4;
	s5 =	simm.s32 $0xD80  }
0xc: {  	[tilespmem:s5], [sflag:$0x3] =	stream.linear.gather [hbm4b:s9+s3], $0x80, $0x38;
	[tilespmem:$0xE10] =	vst v63  }
0xd: {  	_ =	swait.ge [sflag:s10], $0x4E0  }
0xe: {  	[sflag:s10] =	ssyncset.done $0x0  }
0xf: {  	[sflag:s10] =	ssyncadd.s32 $0xFFFFFB20  }
0x10: {  	v0 =	vld [tilespmem:$0x0]  }
0x11: {  	v1 =	vld [tilespmem:$0x10]  }
0x12: {  	v2 =	vld [tilespmem:$0x20]  }
0x13: {  	v3 =	vld [tilespmem:$0x30]  }
0x14: {  	v4 =	vld [tilespmem:$0x40]  }
0x15: {  	v5 =	vld [tilespmem:$0x50]  }
0x16: {  	v6 =	vld [tilespmem:$0x60]  }
0x17: {  	v7 =	vld [tilespmem:$0x70]  }
0x18: {  	v8 =	vld [tilespmem:$0x80]  }
0x19: {  	v9 =	vld [tilespmem:$0x90]  }
0x1a: {  	v10 =	vld [tilespmem:$0xA0];
	vm0 =	veq.s32 v0, $0x1;
	v0 =	vimm.s32 $0x0  }
0x1b: {  	v11 =	vld [tilespmem:$0xB0];
	vm10 =	veq.s32 v1, $0x1;
	vm1 =	veq.s32 v2, $0x1;
	vm11 =	veq.s32 v3, $0x1  }
0x1c: {  	v28 =	vld [tilespmem:$0xC0];
	vm12 =	veq.s32 v4, $0x1;
	vm13 =	veq.s32 v5, $0x1;
	vm14 =	veq.s32 v6, $0x1  }
0x1d: {  	v30 =	vld [tilespmem:$0xD0];
	vm15 =	veq.s32 v7, $0x1;
	v12 =	vsel vm0, $0x1, v0;
	v29 =	vsel vm10, $0x1, v0  }
0x1e: {  	v32 =	vld [tilespmem:$0xE0];
	vm4 =	veq.s32 v8, $0x1;
	v13 =	vsel vm1, $0x1, v0;
	v2 =	vadd.s32 v12, v29  }
0x1f: {  	v34 =	vld [tilespmem:$0xF0];
	vm5 =	veq.s32 v9, $0x1;
	v31 =	vsel vm11, $0x1, v0;
	v2 =	vadd.s32 v13, v2  }
0x20: {  	v36 =	vld [tilespmem:$0x100];
	vm6 =	veq.s32 v10, $0x1;
	v33 =	vsel vm12, $0x1, v0;
	v2 =	vadd.s32 v31, v2  }
0x21: {  	v38 =	vld [tilespmem:$0x110];
	vm7 =	veq.s32 v11, $0x1;
	v35 =	vsel vm13, $0x1, v0;
	v2 =	vadd.s32 v33, v2  }
0x22: {  	v40 =	vld [tilespmem:$0x120];
	vm8 =	veq.s32 v28, $0x1;
	v37 =	vsel vm14, $0x1, v0;
	v2 =	vadd.s32 v35, v2  }
0x23: {  	v42 =	vld [tilespmem:$0x130];
	vm9 =	veq.s32 v30, $0x1;
	v39 =	vsel vm15, $0x1, v0;
	v2 =	vadd.s32 v37, v2  }
0x24: {  	v44 =	vld [tilespmem:$0x140];
	v41 =	vsel vm4, $0x1, v0;
	v43 =	vsel vm5, $0x1, v0;
	v2 =	vadd.s32 v39, v2  }
0x25: {  	v46 =	vld [tilespmem:$0x150];
	v45 =	vsel vm6, $0x1, v0;
	v47 =	vsel vm7, $0x1, v0;
	v2 =	vadd.s32 v41, v2  }
0x26: {  	v48 =	vld [tilespmem:$0x160];
	v49 =	vsel vm8, $0x1, v0;
	v51 =	vsel vm9, $0x1, v0;
	v2 =	vadd.s32 v43, v2  }
0x27: {  	v50 =	vld [tilespmem:$0x170];
	vm10 =	veq.s32 v32, $0x1;
	vm11 =	veq.s32 v34, $0x1;
	v2 =	vadd.s32 v45, v2  }
0x28: {  	v52 =	vld [tilespmem:$0x180];
	vm12 =	veq.s32 v36, $0x1;
	vm13 =	veq.s32 v38, $0x1;
	v2 =	vadd.s32 v47, v2  }
0x29: {  	v54 =	vld [tilespmem:$0x190];
	vm14 =	veq.s32 v40, $0x1;
	vm15 =	veq.s32 v42, $0x1;
	v2 =	vadd.s32 v49, v2  }
0x2a: {  	v56 =	vld [tilespmem:$0x1A0];
	vm4 =	veq.s32 v44, $0x1;
	v53 =	vsel vm10, $0x1, v0;
	v2 =	vadd.s32 v51, v2  }
0x2b: {  	v58 =	vld [tilespmem:$0x1B0];
	vm5 =	veq.s32 v46, $0x1;
	v55 =	vsel vm11, $0x1, v0;
	v2 =	vadd.s32 v53, v2  }
0x2c: {  	v60 =	vld [tilespmem:$0x1C0];
	vm6 =	veq.s32 v48, $0x1;
	v57 =	vsel vm12, $0x1, v0;
	v2 =	vadd.s32 v55, v2  }
0x2d: {  	v62 =	vld [tilespmem:$0x1D0];
	vm7 =	veq.s32 v50, $0x1;
	v59 =	vsel vm13, $0x1, v0;
	v2 =	vadd.s32 v57, v2  }
0x2e: {  	v16 =	vld [tilespmem:$0x1E0];
	vm8 =	veq.s32 v52, $0x1;
	v61 =	vsel vm14, $0x1, v0;
	v2 =	vadd.s32 v59, v2  }
0x2f: {  	v18 =	vld [tilespmem:$0x1F0];
	vm9 =	veq.s32 v54, $0x1;
	v63 =	vsel vm15, $0x1, v0;
	v2 =	vadd.s32 v61, v2  }
0x30: {  	v20 =	vld [tilespmem:$0x200];
	v17 =	vsel vm4, $0x1, v0;
	v19 =	vsel vm5, $0x1, v0;
	v2 =	vadd.s32 v63, v2  }
0x31: {  	v22 =	vld [tilespmem:$0x210];
	v21 =	vsel vm6, $0x1, v0;
	v23 =	vsel vm7, $0x1, v0;
	v2 =	vadd.s32 v17, v2  }
0x32: {  	v24 =	vld [tilespmem:$0x220];
	v25 =	vsel vm8, $0x1, v0;
	v27 =	vsel vm9, $0x1, v0;
	v2 =	vadd.s32 v19, v2  }
0x33: {  	v26 =	vld [tilespmem:$0x230];
	vm10 =	veq.s32 v56, $0x1;
	vm11 =	veq.s32 v58, $0x1;
	v2 =	vadd.s32 v21, v2  }
0x34: {  	v28 =	vld [tilespmem:$0x240];
	vm12 =	veq.s32 v60, $0x1;
	vm13 =	veq.s32 v62, $0x1;
	v2 =	vadd.s32 v23, v2  }
0x35: {  	v30 =	vld [tilespmem:$0x250];
	vm14 =	veq.s32 v16, $0x1;
	vm15 =	veq.s32 v18, $0x1;
	v2 =	vadd.s32 v25, v2  }
0x36: {  	v32 =	vld [tilespmem:$0x260];
	vm4 =	veq.s32 v20, $0x1;
	v29 =	vsel vm10, $0x1, v0;
	v2 =	vadd.s32 v27, v2  }
0x37: {  	v34 =	vld [tilespmem:$0x270];
	vm5 =	veq.s32 v22, $0x1;
	v31 =	vsel vm11, $0x1, v0;
	v2 =	vadd.s32 v29, v2  }
0x38: {  	v36 =	vld [tilespmem:$0x280];
	vm6 =	veq.s32 v24, $0x1;
	v33 =	vsel vm12, $0x1, v0;
	v2 =	vadd.s32 v31, v2  }
0x39: {  	v38 =	vld [tilespmem:$0x290];
	vm7 =	veq.s32 v26, $0x1;
	v35 =	vsel vm13, $0x1, v0;
	v2 =	vadd.s32 v33, v2  }
0x3a: {  	v40 =	vld [tilespmem:$0x2A0];
	vm8 =	veq.s32 v28, $0x1;
	v37 =	vsel vm14, $0x1, v0;
	v2 =	vadd.s32 v35, v2  }
0x3b: {  	v42 =	vld [tilespmem:$0x2B0];
	vm9 =	veq.s32 v30, $0x1;
	v39 =	vsel vm15, $0x1, v0;
	v2 =	vadd.s32 v37, v2  }
0x3c: {  	v44 =	vld [tilespmem:$0x2C0];
	vm10 =	veq.s32 v32, $0x1;
	v41 =	vsel vm4, $0x1, v0;
	v2 =	vadd.s32 v39, v2  }
0x3d: {  	v46 =	vld [tilespmem:$0x2D0];
	vm11 =	veq.s32 v34, $0x1;
	v43 =	vsel vm5, $0x1, v0;
	v2 =	vadd.s32 v41, v2  }
0x3e: {  	v48 =	vld [tilespmem:$0x2E0];
	vm12 =	veq.s32 v36, $0x1;
	v45 =	vsel vm6, $0x1, v0;
	v2 =	vadd.s32 v43, v2  }
0x3f: {  	v50 =	vld [tilespmem:$0x2F0];
	vm13 =	veq.s32 v38, $0x1;
	v47 =	vsel vm7, $0x1, v0;
	v2 =	vadd.s32 v45, v2  }
0x40: {  	v52 =	vld [tilespmem:$0x300];
	vm14 =	veq.s32 v40, $0x1;
	v49 =	vsel vm8, $0x1, v0;
	v2 =	vadd.s32 v47, v2  }
0x41: {  	v54 =	vld [tilespmem:$0x310];
	vm15 =	veq.s32 v42, $0x1;
	v51 =	vsel vm9, $0x1, v0;
	v2 =	vadd.s32 v49, v2  }
0x42: {  	v56 =	vld [tilespmem:$0x320];
	vm4 =	veq.s32 v44, $0x1;
	v53 =	vsel vm10, $0x1, v0;
	v2 =	vadd.s32 v51, v2  }
0x43: {  	v58 =	vld [tilespmem:$0x330];
	vm5 =	veq.s32 v46, $0x1;
	v55 =	vsel vm11, $0x1, v0;
	v2 =	vadd.s32 v53, v2  }
0x44: {  	v60 =	vld [tilespmem:$0x340];
	vm6 =	veq.s32 v48, $0x1;
	v57 =	vsel vm12, $0x1, v0;
	v2 =	vadd.s32 v55, v2  }
0x45: {  	v62 =	vld [tilespmem:$0x350];
	vm7 =	veq.s32 v50, $0x1;
	v59 =	vsel vm13, $0x1, v0;
	v2 =	vadd.s32 v57, v2  }
0x46: {  	v16 =	vld [tilespmem:$0x360];
	vm8 =	veq.s32 v52, $0x1;
	v61 =	vsel vm14, $0x1, v0;
	v2 =	vadd.s32 v59, v2  }
0x47: {  	v18 =	vld [tilespmem:$0x370];
	vm9 =	veq.s32 v54, $0x1;
	v63 =	vsel vm15, $0x1, v0;
	v2 =	vadd.s32 v61, v2  }
0x48: {  	v20 =	vld [tilespmem:$0x380];
	vm10 =	veq.s32 v56, $0x1;
	v17 =	vsel vm4, $0x1, v0;
	v2 =	vadd.s32 v63, v2  }
0x49: {  	v22 =	vld [tilespmem:$0x390];
	vm11 =	veq.s32 v58, $0x1;
	v19 =	vsel vm5, $0x1, v0;
	v2 =	vadd.s32 v17, v2  }
0x4a: {  	v24 =	vld [tilespmem:$0x3A0];
	vm12 =	veq.s32 v60, $0x1;
	v21 =	vsel vm6, $0x1, v0;
	v2 =	vadd.s32 v19, v2  }
0x4b: {  	v26 =	vld [tilespmem:$0x3B0];
	vm13 =	veq.s32 v62, $0x1;
	v23 =	vsel vm7, $0x1, v0;
	v2 =	vadd.s32 v21, v2  }
0x4c: {  	v28 =	vld [tilespmem:$0x3C0];
	vm14 =	veq.s32 v16, $0x1;
	v25 =	vsel vm8, $0x1, v0;
	v2 =	vadd.s32 v23, v2  }
0x4d: {  	v30 =	vld [tilespmem:$0x3D0];
	vm15 =	veq.s32 v18, $0x1;
	v27 =	vsel vm9, $0x1, v0;
	v2 =	vadd.s32 v25, v2  }
0x4e: {  	v32 =	vld [tilespmem:$0x3E0];
	vm4 =	veq.s32 v20, $0x1;
	v29 =	vsel vm10, $0x1, v0;
	v2 =	vadd.s32 v27, v2  }
0x4f: {  	v34 =	vld [tilespmem:$0x3F0];
	vm5 =	veq.s32 v22, $0x1;
	v31 =	vsel vm11, $0x1, v0;
	v2 =	vadd.s32 v29, v2  }
0x50: {  	v36 =	vld [tilespmem:$0x400];
	vm6 =	veq.s32 v24, $0x1;
	v33 =	vsel vm12, $0x1, v0;
	v2 =	vadd.s32 v31, v2  }
0x51: {  	v38 =	vld [tilespmem:$0x410];
	vm7 =	veq.s32 v26, $0x1;
	v35 =	vsel vm13, $0x1, v0;
	v2 =	vadd.s32 v33, v2  }
0x52: {  	v40 =	vld [tilespmem:$0x420];
	vm8 =	veq.s32 v28, $0x1;
	v37 =	vsel vm14, $0x1, v0;
	v2 =	vadd.s32 v35, v2  }
0x53: {  	v42 =	vld [tilespmem:$0x430];
	vm9 =	veq.s32 v30, $0x1;
	v39 =	vsel vm15, $0x1, v0;
	v2 =	vadd.s32 v37, v2  }
0x54: {  	v44 =	vld [tilespmem:$0x440];
	vm10 =	veq.s32 v32, $0x1;
	v41 =	vsel vm4, $0x1, v0;
	v2 =	vadd.s32 v39, v2  }
0x55: {  	v46 =	vld [tilespmem:$0x450];
	vm11 =	veq.s32 v34, $0x1;
	v43 =	vsel vm5, $0x1, v0;
	v2 =	vadd.s32 v41, v2  }
0x56: {  	v48 =	vld [tilespmem:$0x460];
	vm12 =	veq.s32 v36, $0x1;
	v45 =	vsel vm6, $0x1, v0;
	v2 =	vadd.s32 v43, v2  }
0x57: {  	v50 =	vld [tilespmem:$0x470];
	vm13 =	veq.s32 v38, $0x1;
	v47 =	vsel vm7, $0x1, v0;
	v2 =	vadd.s32 v45, v2  }
0x58: {  	v52 =	vld [tilespmem:$0x480];
	vm14 =	veq.s32 v40, $0x1;
	v49 =	vsel vm8, $0x1, v0;
	v2 =	vadd.s32 v47, v2  }
0x59: {  	v54 =	vld [tilespmem:$0x490];
	vm15 =	veq.s32 v42, $0x1;
	v51 =	vsel vm9, $0x1, v0;
	v2 =	vadd.s32 v49, v2  }
0x5a: {  	v56 =	vld [tilespmem:$0x4A0];
	vm4 =	veq.s32 v44, $0x1;
	v53 =	vsel vm10, $0x1, v0;
	v2 =	vadd.s32 v51, v2  }
0x5b: {  	v58 =	vld [tilespmem:$0x4B0];
	v8 =	vsel vm4, $0x1, v0;
	v55 =	vsel vm11, $0x1, v0;
	v2 =	vadd.s32 v53, v2  }
0x5c: {  	s11 =	simm.s32 $0x2;
	v60 =	vld [tilespmem:$0x4C0];
	vm5 =	veq.s32 v46, $0x1;
	v57 =	vsel vm12, $0x1, v0;
	v2 =	vadd.s32 v55, v2  }
0x5d: {  	v62 =	vld [tilespmem:$0x4D0];
	_ =	swait.ge [sflag:s11], $0x20;
	v9 =	vsel vm5, $0x1, v0;
	v59 =	vsel vm13, $0x1, v0;
	v2 =	vadd.s32 v57, v2  }
0x5e: {  	[sflag:s11] =	ssyncset.done $0x0;
	vm6 =	veq.s32 v48, $0x1;
	v61 =	vsel vm14, $0x1, v0;
	v2 =	vadd.s32 v59, v2  }
0x5f: {  	[sflag:s11] =	ssyncadd.s32 $0xFFFFFFE0;
	v15 =	vsel vm6, $0x1, v0;
	v63 =	vsel vm15, $0x1, v0;
	v2 =	vadd.s32 v61, v2  }
0x60: {  	v16 =	vld [tilespmem:$0x4E0];
	vm7 =	veq.s32 v50, $0x1;
	vm8 =	veq.s32 v52, $0x1;
	v2 =	vadd.s32 v63, v2  }
0x61: {  	v18 =	vld [tilespmem:$0x4F0];
	vm9 =	veq.s32 v54, $0x1;
	vm10 =	veq.s32 v56, $0x1;
	v2 =	vadd.s32 v8, v2  }
0x62: {  	v3 =	vsel vm9, $0x1, v0;
	v4 =	vsel vm10, $0x1, v0;
	v2 =	vadd.s32 v9, v2  }
0x63: {  	vm11 =	veq.s32 v58, $0x1;
	v17 =	vsel vm7, $0x1, v0;
	v2 =	vadd.s32 v15, v2  }
0x64: {  	v20 =	vsel vm11, $0x1, v0;
	v19 =	vsel vm8, $0x1, v0;
	v2 =	vadd.s32 v17, v2  }
0x65: {  	vm12 =	veq.s32 v16, $0x1;
	vm14 =	veq.s32 v60, $0x1;
	v2 =	vadd.s32 v19, v2  }
0x66: {  	vm13 =	veq.s32 v18, $0x1;
	v24 =	vsel vm14, $0x1, v0;
	v2 =	vadd.s32 v3, v2  }
0x67: {  	p0 =	seq.s32 s1, $0x0;
	s8 =	simm.s32 $0x1;
	v21 =	vsel vm12, $0x1, v0;
	v23 =	vsel vm13, $0x1, v0;
	v2 =	vadd.s32 v4, v2  }
0x68: {  	s8 =	simm.s32 @!p0 $0x0;
	vm15 =	veq.s32 v62, $0x1;
	v22 =	vadd.s32 v20, v2;
	v2 =	vadd.s32 v21, v23  }
0x69: {  	v0 =	vsel vm15, $0x1, v0;
	v1 =	vadd.s32 v24, v22;
	v2 =	vmul.u32 s8, v2  }
0x6a: {  	v0 =	vadd.s32 v0, v1  }
0x6b: {  	v0 =	vadd.s32 v2, v0  }
0x6c: {  	(v2sf) =	vpush v0, $0x0  }
0x6d: {  	(v2sf) =	vpush v0, $0x1  }
0x6e: {  	(v2sf) =	vpush v0, $0x2  }
0x6f: {  	(v2sf) =	vpush v0, $0x3  }
0x70: {  	(v2sf) =	vpush v0, $0x4  }
0x71: {  	(v2sf) =	vpush v0, $0x5  }
0x72: {  	(v2sf) =	vpush v0, $0x6  }
0x73: {  	(v2sf) =	vpush v0, $0x7  }
0x74: {  	(v2sf) =	vpush v0, $0x8  }
0x75: {  	(v2sf) =	vpush v0, $0x9  }
0x76: {  	(v2sf) =	vpush v0, $0xA  }
0x77: {  	(v2sf) =	vpush v0, $0xB  }
0x78: {  	(v2sf) =	vpush v0, $0xC  }
0x79: {  	(v2sf) =	vpush v0, $0xD  }
0x7a: {  	(v2sf) =	vpush v0, $0xE  }
0x7b: {  	s12 =	spop (v2sf);
	(v2sf) =	vpush v0, $0xF  }
0x7c: {  	s13 =	spop (v2sf)  }
0x7d: {  	s10 =	spop (v2sf);
	s8 =	sadd.s32 s13, s12  }
0x7e: {  	s14 =	spop (v2sf);
	s8 =	sadd.s32 s10, s8  }
0x7f: {  	s15 =	spop (v2sf);
	s8 =	sadd.s32 s14, s8  }
0x80: {  	s16 =	spop (v2sf);
	s8 =	sadd.s32 s15, s8  }
0x81: {  	s17 =	spop (v2sf);
	s8 =	sadd.s32 s16, s8  }
0x82: {  	s18 =	spop (v2sf);
	s8 =	sadd.s32 s17, s8  }
0x83: {  	s19 =	spop (v2sf);
	s8 =	sadd.s32 s18, s8  }
0x84: {  	s20 =	spop (v2sf);
	s8 =	sadd.s32 s19, s8  }
0x85: {  	s21 =	spop (v2sf);
	s8 =	sadd.s32 s20, s8  }
0x86: {  	s22 =	spop (v2sf);
	s8 =	sadd.s32 s21, s8  }
0x87: {  	s23 =	spop (v2sf);
	s8 =	sadd.s32 s22, s8  }
0x88: {  	s24 =	spop (v2sf);
	s8 =	sadd.s32 s23, s8  }
0x89: {  	s25 =	spop (v2sf);
	s8 =	sadd.s32 s24, s8  }
0x8a: {  	s8 =	sadd.s32 s25, s8;
	s26 =	spop (v2sf)  }
0x8b: {  	s8 =	sadd.s32 s26, s8  }
0x8c: {  	v25 =	vmov s8  }
0x8d: {  	s28 =	simm.s32 $0x500;
	s29 =	simm.s32 $0x4;
	s7 =	sadd.s32 s7, s6;
	[tilespmem:$0x500] =	vst v25  }
0x8e: {  	[spmem:s7] =	stream.linear.scatter [tilespmem:s28], [sflag:$0x4], $0x80, $0x38;
	[tilespmem:$0xE10] =	vst v63  }
0x8f: {  	_ =	swait.ge [sflag:s29], $0x80  }
0x90: {  	[sflag:s29] =	ssyncset.done $0x0  }
0x91: {  	[sflag:s29] =	ssyncadd.s32 $0xFFFFFF80  }
0x92: {  	s30 =	simm.s32 $0x580;
	[bflag:$0x0] =	sbarrier.arrive $0xFFFF  }
0x93: {  	[tilespmem:s30], [sflag:$0x4] =	stream.linear.gather [spmem:s6], $0x800, $0x38;
	[tilespmem:$0xE10] =	vst v63  }
0x94: {  	_ =	swait.ge [sflag:s29], $0x800  }
0x95: {  	[sflag:s29] =	ssyncset.done $0x0  }
0x96: {  	[sflag:s29] =	ssyncadd.s32 $0xFFFFF800  }
0x97: {  	v26 =	vld [tilespmem:$0x580]  }
0x98: {  	v27 =	vld [tilespmem:$0x600]  }
0x99: {  	v28 =	vld [tilespmem:$0x680]  }
0x9a: {  	v29 =	vld [tilespmem:$0x700]  }
0x9b: {  	v30 =	vld [tilespmem:$0x780]  }
0x9c: {  	v31 =	vld [tilespmem:$0x800]  }
0x9d: {  	v32 =	vld [tilespmem:$0x880];
	v0 =	vadd.s32 v26, v27  }
0x9e: {  	v33 =	vld [tilespmem:$0x900];
	v0 =	vadd.s32 v28, v0  }
0x9f: {  	v34 =	vld [tilespmem:$0x980];
	v0 =	vadd.s32 v29, v0  }
0xa0: {  	v35 =	vld [tilespmem:$0xA00];
	v0 =	vadd.s32 v30, v0  }
0xa1: {  	v36 =	vld [tilespmem:$0xA80];
	v0 =	vadd.s32 v31, v0  }
0xa2: {  	v37 =	vld [tilespmem:$0xB00];
	v0 =	vadd.s32 v32, v0  }
0xa3: {  	v38 =	vld [tilespmem:$0xB80];
	v0 =	vadd.s32 v33, v0  }
0xa4: {  	v39 =	vld [tilespmem:$0xC00];
	v0 =	vadd.s32 v34, v0  }
0xa5: {  	s31 =	simm.s32 $0x3;
	v40 =	vld [tilespmem:$0xC80];
	v0 =	vadd.s32 v35, v0  }
0xa6: {  	v41 =	vld [tilespmem:$0xD00];
	_ =	swait.ge [sflag:s31], $0x80;
	v0 =	vadd.s32 v36, v0  }
0xa7: {  	[sflag:s31] =	ssyncset.done $0x0;
	v0 =	vadd.s32 v37, v0  }
0xa8: {  	[sflag:s31] =	ssyncadd.s32 $0xFFFFFF80;
	v0 =	vadd.s32 v38, v0  }
0xa9: {  	v42 =	vld [tilespmem:$0xD80];
	v0 =	vadd.s32 v39, v0  }
0xaa: {  	v43 =	vld [tilespmem:$0xD90];
	v0 =	vadd.s32 v40, v0  }
0xab: {  	v44 =	vld [tilespmem:$0xDA0];
	v0 =	vadd.s32 v41, v0  }
0xac: {  	v45 =	vld [tilespmem:$0xDB0];
	v0 =	vcvt.s32.f32 v0  }
0xad: {  	v46 =	vld [tilespmem:$0xDC0]  }
0xae: {  	v47 =	vld [tilespmem:$0xDD0];
	v1 =	vmul.f32 v0, v42  }
0xaf: {  	v48 =	vld [tilespmem:$0xDE0];
	v2 =	vmul.f32 v0, v43  }
0xb0: {  	v49 =	vld [tilespmem:$0xDF0];
	v3 =	vmul.f32 v0, v44;
	v1 =	vmax.f32 v1, $0.0e+00  }
0xb1: {  	v4 =	vmul.f32 v0, v45;
	v2 =	vmax.f32 v2, $0.0e+00;
	v1 =	vmin.f32 v1, $1.000000000e+00  }
0xb2: {  	v52 =	vmul.f32 v0, v46;
	v51 =	vmax.f32 v3, $0.0e+00;
	v50 =	vmin.f32 v2, $1.000000000e+00;
	[tilespmem:$0xD80] =	vst v1  }
0xb3: {  	v55 =	vmul.f32 v0, v47;
	v54 =	vmax.f32 v4, $0.0e+00;
	v53 =	vmin.f32 v51, $1.000000000e+00;
	[tilespmem:$0xD90] =	vst v50  }
0xb4: {  	v58 =	vmul.f32 v0, v48;
	v57 =	vmax.f32 v52, $0.0e+00;
	v56 =	vmin.f32 v54, $1.000000000e+00;
	[tilespmem:$0xDA0] =	vst v53  }
0xb5: {  	v0 =	vmul.f32 v0, v49;
	v60 =	vmax.f32 v55, $0.0e+00;
	v59 =	vmin.f32 v57, $1.000000000e+00;
	[tilespmem:$0xDB0] =	vst v56  }
0xb6: {  	v62 =	vmax.f32 v58, $0.0e+00;
	v61 =	vmin.f32 v60, $1.000000000e+00;
	[tilespmem:$0xDC0] =	vst v59  }
0xb7: {  	v0 =	vmax.f32 v0, $0.0e+00;
	v63 =	vmin.f32 v62, $1.000000000e+00;
	[tilespmem:$0xDD0] =	vst v61  }
0xb8: {  	v0 =	vmin.f32 v0, $1.000000000e+00;
	[tilespmem:$0xDE0] =	vst v63  }
0xb9: {  	s2 =	sadd.s32 s2, s4;
	[tilespmem:$0xDF0] =	vst v0  }
0xba: {  	[hbm4b:s2+s3] =	stream.linear.scatter [tilespmem:s5], [sflag:$0x4], $0x80, $0x38;
	[tilespmem:$0xE10] =	vst v63  }
0xbb: {  	_ =	swait.ge [sflag:s29], $0x80  }
0xbc: {  	[sflag:s29] =	ssyncset.done $0x0  }
0xbd: {  	[sflag:s29] =	ssyncadd.s32 $0xFFFFFF80  }
0xbe: {  	_ =	sfence.sel $0x180000  }
0xbf: {  	[bflag:$0x0] =	sbarrier.arrive $0xFFFF  }
0xc0: {  	p0 =	sne.s32 s1, $0x0;
	_ =	strace $0x90000047  }
0xc1: {  	s0 =	sadd.s32 @!p0 $0x100000, s0;
	[bflag:$0x2] =	sbarrier.arrive $0xFFFF  }
0xc2: {  	[sflag:s0] =	ssyncadd.tile.s32 @!p0 $0x1;
	_ =	shalt  }
.Lfunc_end2:
_tile_overlayer_lowered:
.L_overlay_start_2:
0xc3: {  	(tag) =	ssettag $0x2  }
0xc4: {  	s0 =	rddreg [dreg:$0x0];
	s2 =	stileid.u32  }
0xc5: {  	s1 =	rddreg [dreg:$0x1];
	p0 =	sne.s32 s2, $0x0  }
0xc6: {  	s3 =	rddreg [dreg:$0x2];
	[bflag:$0x3] =	sbarrier.arrive $0xFFFF;
	s2 =	simm.s32 @!p0 $0x1C04  }
0xc7: {  	[timem:s3], [sflag:s2] =	dma.local @!p0 [hbm:s0], s1  }
0xc8: {  	s0 =	simm.s32 @!p0 $0x4  }
0xc9: {  	_ =	swait.ge @!p0 [sflag:s0], s1  }
0xca: {  	s1 =	ssub.s32 @!p0 $0x0, s1;
	[sflag:s0] =	ssyncset.done @!p0 $0x0  }
0xcb: {  	[sflag:s0] =	ssyncadd.s32 @!p0 s1  }
0xcc: {  	[bflag:$0x3] =	sbarrier.arrive $0xFFFF  }
0xcd: {  	_ =	shalt  }

</sc_bundles>
